<compile_context>
chip_gen: v7x
topology: tpu7x:2x2x1
jax: 0.10.2.dev20260603
libtpu: 0.0.44.dev20260713+nightly
codegen_flags: <defaults>
</compile_context>

<pallas_src>
import functools

import jax
import jax.numpy as jnp
from jax import lax
from jax.experimental import pallas as pl
from jax.experimental.pallas import tpu as pltpu
from jax.experimental.pallas import tpu_sc as plsc

DIM = 64
NUM_CORES = 2
NUM_SUBCORES = 16
NUM_WORKERS = NUM_CORES * NUM_SUBCORES
LANES = 16
IDX_MAX = 104
SCALE = 8.0
EPS = 1e-5


def _rsqrt(v):
    i = lax.bitcast_convert_type(v, jnp.int32)
    i = 0x5F3759DF - lax.shift_right_logical(i, 1)
    y = lax.bitcast_convert_type(i, jnp.float32)
    half = 0.5 * v
    for _ in range(3):
        y = y * (1.5 - half * y * y)
    return y


def _make_kernel(batch, seqlen):
    rows_per_worker = batch // NUM_WORKERS
    outer_iters = rows_per_worker // 2
    segs = []
    off = 0
    while off < seqlen:
        n = min(IDX_MAX, seqlen - off)
        segs.append((off, n))
        off += n
    mesh = plsc.VectorSubcoreMesh(core_axis_name="c", subcore_axis_name="s")

    @functools.partial(
        pl.kernel,
        mesh=mesh,
        compiler_params=pltpu.CompilerParams(
            needs_layout_passes=False, use_tc_tiling_on_sc=False
        ),
        out_type=jax.ShapeDtypeStruct((batch, seqlen, DIM), jnp.float32),
        scratch_types=[
            pltpu.VMEM((rows_per_worker, seqlen), jnp.int32),
            pltpu.VMEM((2, seqlen, DIM), jnp.float32),
            pltpu.VMEM((2, seqlen, DIM), jnp.float32),
            pltpu.VMEM((seqlen, DIM), jnp.float32),
            pltpu.VMEM((DIM,), jnp.float32),
            pltpu.VMEM((DIM,), jnp.float32),
            pltpu.SemaphoreType.DMA,
            pltpu.SemaphoreType.DMA,
            pltpu.SemaphoreType.DMA,
            pltpu.SemaphoreType.DMA,
        ],
    )
    def emb_kernel(seq_hbm, tok_hbm, pos_hbm, gamma_hbm, beta_hbm, out_hbm,
                   idx_all, rows, outb, pos_v, g_v, b_v,
                   sem_g0, sem_g1, sem_o0, sem_o1):
        wid = lax.axis_index("s") * NUM_CORES + lax.axis_index("c")
        row_base = wid * rows_per_worker

        pltpu.sync_copy(seq_hbm.at[pl.ds(row_base, rows_per_worker)], idx_all)
        pltpu.sync_copy(pos_hbm, pos_v)
        pltpu.sync_copy(gamma_hbm, g_v)
        pltpu.sync_copy(beta_hbm, b_v)

        g4 = [g_v[pl.ds(j * LANES, LANES)] for j in range(4)]
        b4 = [b_v[pl.ds(j * LANES, LANES)] for j in range(4)]

        sems_g = (sem_g0, sem_g1)
        sems_o = (sem_o0, sem_o1)

        def gather_copies(r, buf, sem):
            return [
                pltpu.make_async_copy(
                    tok_hbm.at[idx_all.at[r, pl.ds(o, n)]],
                    rows.at[buf, pl.ds(o, n)],
                    sem,
                )
                for o, n in segs
            ]

        def fire_gather(r, buf, sem):
            for cp in gather_copies(r, buf, sem):
                cp.start()

        def wait_gather(r, buf, sem):
            for cp in gather_copies(r, buf, sem):
                cp.wait()

        def store_copy(bi, buf, sem):
            return pltpu.make_async_copy(outb.at[buf], out_hbm.at[bi], sem)

        fire_gather(0, 0, sem_g0)

        def outer(g, _):
            for b in range(2):
                r = g * 2 + b
                nb = 1 - b
                if b == 0:
                    fire_gather(r + 1, nb, sems_g[nb])
                else:
                    @pl.when(g < outer_iters - 1)
                    def _():
                        fire_gather(r + 1, nb, sems_g[nb])
                wait_gather(r, b, sems_g[b])

                bi = row_base + r

                @pl.when(g > 0)
                def _():
                    store_copy(bi, b, sems_o[b]).wait()

                @plsc.parallel_loop(0, seqlen, 1, unroll=2)
                def tok_body(t):
                    x = [rows[b, t, pl.ds(j * LANES, LANES)] * SCALE
                         + pos_v[t, pl.ds(j * LANES, LANES)]
                         for j in range(4)]
                    s = (x[0] + x[1]) + (x[2] + x[3])
                    sq = (x[0] * x[0] + x[1] * x[1]) + (x[2] * x[2] + x[3] * x[3])
                    mean = jnp.sum(s) * (1.0 / DIM)
                    var = jnp.sum(sq) * (1.0 / DIM) - mean * mean
                    inv = _rsqrt(var + EPS)
                    cc = mean * inv
                    for j in range(4):
                        outb[b, t, pl.ds(j * LANES, LANES)] = (
                            (x[j] * inv - cc) * g4[j] + b4[j]
                        )

                store_copy(bi, b, sems_o[b]).start()
            return 0

        lax.fori_loop(0, outer_iters, outer, 0)

        for b in range(2):
            store_copy(row_base + b, b, sems_o[b]).wait()

    return emb_kernel


@jax.jit
def kernel(seq, tok_table, pos_table, gamma, beta):
    b, s = seq.shape
    return _make_kernel(b, s)(
        seq.astype(jnp.int32), tok_table, pos_table, gamma, beta
    )

# --- scband reference (transcript-rebuilt; emitter-appended) ---
"""Pipeline reference for scband-embedding-88759794139390 (READ-ONLY COPY).

The authoritative reference and input builder live on the scoring server;
editing this copy changes nothing except your own understanding.
"""

import jax, jax.numpy as jnp
import numpy as np

DIM = 64
VOCAB = 100000
MAX_LEN = 200
B = 4096
S = 200


def setup_inputs(seed: int = 0) -> dict:
    key = jax.random.key(seed)
    k1, k2, k3 = jax.random.split(key, 3)
    seq = jax.random.randint(k1, (B, S), 0, VOCAB, dtype=jnp.int64 if jax.config.jax_enable_x64 else jnp.int32)
    tok_table = jax.random.normal(k2, (VOCAB, DIM), dtype=jnp.float32) * 0.02
    pos_table = jax.random.normal(k3, (MAX_LEN, DIM), dtype=jnp.float32) * 0.02
    gamma = jnp.ones((DIM,), dtype=jnp.float32)
    beta = jnp.zeros((DIM,), dtype=jnp.float32)
    return {"seq": seq, "tok_table": tok_table, "pos_table": pos_table, "gamma": gamma, "beta": beta}


def reference(seq, tok_table, pos_table, gamma, beta):
    # scale = sqrt(dim), a fixed (non-trainable) parameter in the torch module
    scale = jnp.sqrt(jnp.asarray(DIM, dtype=jnp.float32))
    N, seq_len = seq.shape
    pos_ids = jnp.arange(seq_len)
    tok_emb = jnp.take(tok_table, seq, axis=0)            # [N, S, D] gather
    pos_emb = jnp.take(pos_table, pos_ids, axis=0)        # [S, D] gather
    embeds = tok_emb * scale + pos_emb[None, :, :]
    # LayerNorm over last dim (eps=1e-5, torch default)
    mean = jnp.mean(embeds, axis=-1, keepdims=True)
    var = jnp.var(embeds, axis=-1, keepdims=True)
    normed = (embeds - mean) / jnp.sqrt(var + 1e-5)
    out = normed * gamma + beta
    # dropout is identity in eval mode
    return out

if __name__ == "__main__":
    import jax
    _d = setup_inputs()
    print(jax.jit(kernel)(*tuple(_d.values())))

</pallas_src>

<mosaic_0001>
#map = affine_map<(d0, d1) -> (0, 0)>
#map1 = affine_map<(d0, d1) -> (0)>
#map2 = affine_map<(d0, d1) -> (0, 0, 0)>
module attributes {stable_mosaic.version = 14 : i64} {
  func.func @emb_kernel(%arg0: i32, %arg1: i32, %arg2: memref<4096x200xi32, #tpu.memory_space<hbm>>, %arg3: memref<100000x64xf32, #tpu.memory_space<hbm>>, %arg4: memref<200x64xf32, #tpu.memory_space<hbm>>, %arg5: memref<64xf32, #tpu.memory_space<hbm>>, %arg6: memref<64xf32, #tpu.memory_space<hbm>>, %arg7: memref<4096x200x64xf32, #tpu.memory_space<hbm>>, %arg8: memref<128x200xi32, #tpu.memory_space<vmem>>, %arg9: memref<2x200x64xf32, #tpu.memory_space<vmem>>, %arg10: memref<2x200x64xf32, #tpu.memory_space<vmem>>, %arg11: memref<200x64xf32, #tpu.memory_space<vmem>>, %arg12: memref<64xf32, #tpu.memory_space<vmem>>, %arg13: memref<64xf32, #tpu.memory_space<vmem>>, %arg14: memref<!tpu.dma_semaphore, #tpu.memory_space<semaphore_mem>>, %arg15: memref<!tpu.dma_semaphore, #tpu.memory_space<semaphore_mem>>, %arg16: memref<!tpu.dma_semaphore, #tpu.memory_space<semaphore_mem>>, %arg17: memref<!tpu.dma_semaphore, #tpu.memory_space<semaphore_mem>>) attributes {dimension_semantics = [#tpu.dimension_semantics<core_parallel>, #tpu.dimension_semantics<subcore_parallel>], iteration_bounds = array<i64: 2, 16>, scalar_prefetch = 0 : i64, scratch_operands = 10 : i64, tpu.core_type = #tpu.core_type<sc_vector_subcore>, window_params = [{transform_indices = #map}, {transform_indices = #map}, {transform_indices = #map}, {transform_indices = #map1}, {transform_indices = #map1}, {transform_indices = #map2}]} {
    %mul3A = arith.constant 2 : i32
    %mul3A_0 = arith.muli %arg1, %mul3A : i32
    %add3A = arith.addi %mul3A_0, %arg0 : i32
    %mul3A_1 = arith.constant 128 : i32
    %mul3A_2 = arith.muli %add3A, %mul3A_1 : i32
    "tpu.region"() ({
      %run_scoped3A = tpu.sem_alloc : memref<!tpu.dma_semaphore, #tpu.memory_space<semaphore_mem>>
      %dma_start3A_84 = arith.constant 0 : i32
      %dma_start3A_85 = tpu.memref_slice %arg2[%mul3A_2, %dma_start3A_84] : memref<4096x200xi32, #tpu.memory_space<hbm>> -> memref<128x200xi32, #tpu.memory_space<hbm>>
      %dma_start3A_86 = arith.constant 0 : i32
      %dma_start3A_87 = tpu.memref_slice %arg2[%mul3A_2, %dma_start3A_86] : memref<4096x200xi32, #tpu.memory_space<hbm>> -> memref<128x200xi32, #tpu.memory_space<hbm>>
      tpu.enqueue_dma source(%dma_start3A_87 : memref<128x200xi32, #tpu.memory_space<hbm>>) target(%arg8 : memref<128x200xi32, #tpu.memory_space<vmem>>) target_semaphore(%run_scoped3A : memref<!tpu.dma_semaphore, #tpu.memory_space<semaphore_mem>>)
      %dma_wait3A_88 = arith.constant 0 : i32
      %dma_wait3A_89 = tpu.memref_slice %arg2[%mul3A_2, %dma_wait3A_88] : memref<4096x200xi32, #tpu.memory_space<hbm>> -> memref<128x200xi32, #tpu.memory_space<hbm>>
      %dma_wait3A_90 = arith.constant 0 : i32
      %dma_wait3A_91 = tpu.memref_slice %arg2[%mul3A_2, %dma_wait3A_90] : memref<4096x200xi32, #tpu.memory_space<hbm>> -> memref<128x200xi32, #tpu.memory_space<hbm>>
      tpu.wait_dma2 semaphore(%run_scoped3A : memref<!tpu.dma_semaphore, #tpu.memory_space<semaphore_mem>>) src(%dma_wait3A_91 : memref<128x200xi32, #tpu.memory_space<hbm>>) dst(%arg8 : memref<128x200xi32, #tpu.memory_space<vmem>>)
      tpu.yield
    }) : () -> ()
    "tpu.region"() ({
      %run_scoped3A = tpu.sem_alloc : memref<!tpu.dma_semaphore, #tpu.memory_space<semaphore_mem>>
      tpu.enqueue_dma source(%arg4 : memref<200x64xf32, #tpu.memory_space<hbm>>) target(%arg11 : memref<200x64xf32, #tpu.memory_space<vmem>>) target_semaphore(%run_scoped3A : memref<!tpu.dma_semaphore, #tpu.memory_space<semaphore_mem>>)
      tpu.wait_dma2 semaphore(%run_scoped3A : memref<!tpu.dma_semaphore, #tpu.memory_space<semaphore_mem>>) src(%arg4 : memref<200x64xf32, #tpu.memory_space<hbm>>) dst(%arg11 : memref<200x64xf32, #tpu.memory_space<vmem>>)
      tpu.yield
    }) : () -> ()
    "tpu.region"() ({
      %run_scoped3A = tpu.sem_alloc : memref<!tpu.dma_semaphore, #tpu.memory_space<semaphore_mem>>
      tpu.enqueue_dma source(%arg5 : memref<64xf32, #tpu.memory_space<hbm>>) target(%arg12 : memref<64xf32, #tpu.memory_space<vmem>>) target_semaphore(%run_scoped3A : memref<!tpu.dma_semaphore, #tpu.memory_space<semaphore_mem>>)
      tpu.wait_dma2 semaphore(%run_scoped3A : memref<!tpu.dma_semaphore, #tpu.memory_space<semaphore_mem>>) src(%arg5 : memref<64xf32, #tpu.memory_space<hbm>>) dst(%arg12 : memref<64xf32, #tpu.memory_space<vmem>>)
      tpu.yield
    }) : () -> ()
    "tpu.region"() ({
      %run_scoped3A = tpu.sem_alloc : memref<!tpu.dma_semaphore, #tpu.memory_space<semaphore_mem>>
      tpu.enqueue_dma source(%arg6 : memref<64xf32, #tpu.memory_space<hbm>>) target(%arg13 : memref<64xf32, #tpu.memory_space<vmem>>) target_semaphore(%run_scoped3A : memref<!tpu.dma_semaphore, #tpu.memory_space<semaphore_mem>>)
      tpu.wait_dma2 semaphore(%run_scoped3A : memref<!tpu.dma_semaphore, #tpu.memory_space<semaphore_mem>>) src(%arg6 : memref<64xf32, #tpu.memory_space<hbm>>) dst(%arg13 : memref<64xf32, #tpu.memory_space<vmem>>)
      tpu.yield
    }) : () -> ()
    %get3A = arith.constant 0 : index
    %get3A_3 = tpu.vector_load %arg12[%get3A] {strides = array<i32>} : memref<64xf32, #tpu.memory_space<vmem>>, vector<16xf32>,
    %get3A_4 = arith.constant 16 : index
    %get3A_5 = tpu.vector_load %arg12[%get3A_4] {strides = array<i32>} : memref<64xf32, #tpu.memory_space<vmem>>, vector<16xf32>,
    %get3A_6 = arith.constant 32 : index
    %get3A_7 = tpu.vector_load %arg12[%get3A_6] {strides = array<i32>} : memref<64xf32, #tpu.memory_space<vmem>>, vector<16xf32>,
    %get3A_8 = arith.constant 48 : index
    %get3A_9 = tpu.vector_load %arg12[%get3A_8] {strides = array<i32>} : memref<64xf32, #tpu.memory_space<vmem>>, vector<16xf32>,
    %get3A_10 = arith.constant 0 : index
    %get3A_11 = tpu.vector_load %arg13[%get3A_10] {strides = array<i32>} : memref<64xf32, #tpu.memory_space<vmem>>, vector<16xf32>,
    %get3A_12 = arith.constant 16 : index
    %get3A_13 = tpu.vector_load %arg13[%get3A_12] {strides = array<i32>} : memref<64xf32, #tpu.memory_space<vmem>>, vector<16xf32>,
    %get3A_14 = arith.constant 32 : index
    %get3A_15 = tpu.vector_load %arg13[%get3A_14] {strides = array<i32>} : memref<64xf32, #tpu.memory_space<vmem>>, vector<16xf32>,
    %get3A_16 = arith.constant 48 : index
    %get3A_17 = tpu.vector_load %arg13[%get3A_16] {strides = array<i32>} : memref<64xf32, #tpu.memory_space<vmem>>, vector<16xf32>,
    %dma_start3A = arith.constant 0 : i32
    %dma_start3A_18 = arith.constant 0 : i32
    %dma_start3A_19 = arith.constant 0 : i32
    %dma_start3A_20 = arith.constant 0 : i32
    %dma_start3A_21 = tpu.memref_slice %arg9[%dma_start3A_18, %dma_start3A_19, %dma_start3A_20] : memref<2x200x64xf32, #tpu.memory_space<vmem>> -> memref<1x104x64xf32, #tpu.memory_space<vmem>>
    %dma_start3A_22 = tpu.memref_squeeze %dma_start3A_21 : memref<1x104x64xf32, #tpu.memory_space<vmem>> -> memref<104x64xf32, #tpu.memory_space<vmem>>
    %dma_start3A_23 = arith.constant 0 : i32
    %dma_start3A_24 = tpu.memref_slice %arg8[%dma_start3A, %dma_start3A_23] : memref<128x200xi32, #tpu.memory_space<vmem>> -> memref<1x104xi32, #tpu.memory_space<vmem>>
    %dma_start3A_25 = tpu.memref_squeeze %dma_start3A_24 : memref<1x104xi32, #tpu.memory_space<vmem>> -> memref<104xi32, #tpu.memory_space<vmem>>
    %dma_start3A_26 = arith.constant 0 : i32
    %dma_start3A_27 = arith.constant 0 : i32
    %dma_start3A_28 = tpu.memref_slice %arg3[%dma_start3A_26, %dma_start3A_27] : memref<100000x64xf32, #tpu.memory_space<hbm>> -> memref<100000x64xf32, #tpu.memory_space<hbm>>
    tpu.enqueue_indirect_dma source(%dma_start3A_28 : memref<100000x64xf32, #tpu.memory_space<hbm>>) target(%dma_start3A_22 : memref<104x64xf32, #tpu.memory_space<vmem>>) offsets(%dma_start3A_25 : memref<104xi32, #tpu.memory_space<vmem>>) semaphore(%arg14 : memref<!tpu.dma_semaphore, #tpu.memory_space<semaphore_mem>>)
    %dma_start3A_29 = arith.constant 0 : i32
    %dma_start3A_30 = arith.constant 0 : i32
    %dma_start3A_31 = arith.constant 104 : i32
    %dma_start3A_32 = arith.constant 0 : i32
    %dma_start3A_33 = tpu.memref_slice %arg9[%dma_start3A_30, %dma_start3A_31, %dma_start3A_32] : memref<2x200x64xf32, #tpu.memory_space<vmem>> -> memref<1x96x64xf32, #tpu.memory_space<vmem>>
    %dma_start3A_34 = tpu.memref_squeeze %dma_start3A_33 : memref<1x96x64xf32, #tpu.memory_space<vmem>> -> memref<96x64xf32, #tpu.memory_space<vmem>>
    %dma_start3A_35 = arith.constant 104 : i32
    %dma_start3A_36 = tpu.memref_slice %arg8[%dma_start3A_29, %dma_start3A_35] : memref<128x200xi32, #tpu.memory_space<vmem>> -> memref<1x96xi32, #tpu.memory_space<vmem>>
    %dma_start3A_37 = tpu.memref_squeeze %dma_start3A_36 : memref<1x96xi32, #tpu.memory_space<vmem>> -> memref<96xi32, #tpu.memory_space<vmem>>
    %dma_start3A_38 = arith.constant 0 : i32
    %dma_start3A_39 = arith.constant 0 : i32
    %dma_start3A_40 = tpu.memref_slice %arg3[%dma_start3A_38, %dma_start3A_39] : memref<100000x64xf32, #tpu.memory_space<hbm>> -> memref<100000x64xf32, #tpu.memory_space<hbm>>
    tpu.enqueue_indirect_dma source(%dma_start3A_40 : memref<100000x64xf32, #tpu.memory_space<hbm>>) target(%dma_start3A_34 : memref<96x64xf32, #tpu.memory_space<vmem>>) offsets(%dma_start3A_37 : memref<96xi32, #tpu.memory_space<vmem>>) semaphore(%arg14 : memref<!tpu.dma_semaphore, #tpu.memory_space<semaphore_mem>>)
    %scan3A = arith.constant 0 : i32
    %scan3A_41 = arith.constant 0 : i32
    %scan3A_42 = arith.constant 64 : i32
    %scan3A_43 = arith.addi %scan3A_41, %scan3A_42 : i32
    %scan3A_44 = arith.constant 1 : i32
    %scan3A_45 = scf.for %scan3A_84 = %scan3A_41 to %scan3A_43 step %scan3A_44 iter_args(%scan3A_85 = %scan3A) -> (i32)  : i32 {
      %mul3A_86 = arith.constant 2 : i32
      %mul3A_87 = arith.muli %scan3A_84, %mul3A_86 : i32
      %add3A_88 = arith.constant 0 : i32
      %add3A_89 = arith.addi %mul3A_87, %add3A_88 : i32
      %add3A_90 = arith.constant 1 : i32
      %add3A_91 = arith.addi %add3A_89, %add3A_90 : i32
      %dma_start3A_92 = arith.constant 1 : i32
      %dma_start3A_93 = arith.constant 0 : i32
      %dma_start3A_94 = arith.constant 0 : i32
      %dma_start3A_95 = tpu.memref_slice %arg9[%dma_start3A_92, %dma_start3A_93, %dma_start3A_94] : memref<2x200x64xf32, #tpu.memory_space<vmem>> -> memref<1x104x64xf32, #tpu.memory_space<vmem>>
      %dma_start3A_96 = tpu.memref_squeeze %dma_start3A_95 : memref<1x104x64xf32, #tpu.memory_space<vmem>> -> memref<104x64xf32, #tpu.memory_space<vmem>>
      %dma_start3A_97 = arith.constant 0 : i32
      %dma_start3A_98 = tpu.memref_slice %arg8[%add3A_91, %dma_start3A_97] : memref<128x200xi32, #tpu.memory_space<vmem>> -> memref<1x104xi32, #tpu.memory_space<vmem>>
      %dma_start3A_99 = tpu.memref_squeeze %dma_start3A_98 : memref<1x104xi32, #tpu.memory_space<vmem>> -> memref<104xi32, #tpu.memory_space<vmem>>
      %dma_start3A_100 = arith.constant 0 : i32
      %dma_start3A_101 = arith.constant 0 : i32
      %dma_start3A_102 = tpu.memref_slice %arg3[%dma_start3A_100, %dma_start3A_101] : memref<100000x64xf32, #tpu.memory_space<hbm>> -> memref<100000x64xf32, #tpu.memory_space<hbm>>
      tpu.enqueue_indirect_dma source(%dma_start3A_102 : memref<100000x64xf32, #tpu.memory_space<hbm>>) target(%dma_start3A_96 : memref<104x64xf32, #tpu.memory_space<vmem>>) offsets(%dma_start3A_99 : memref<104xi32, #tpu.memory_space<vmem>>) semaphore(%arg15 : memref<!tpu.dma_semaphore, #tpu.memory_space<semaphore_mem>>)
      %dma_start3A_103 = arith.constant 1 : i32
      %dma_start3A_104 = arith.constant 104 : i32
      %dma_start3A_105 = arith.constant 0 : i32
      %dma_start3A_106 = tpu.memref_slice %arg9[%dma_start3A_103, %dma_start3A_104, %dma_start3A_105] : memref<2x200x64xf32, #tpu.memory_space<vmem>> -> memref<1x96x64xf32, #tpu.memory_space<vmem>>
      %dma_start3A_107 = tpu.memref_squeeze %dma_start3A_106 : memref<1x96x64xf32, #tpu.memory_space<vmem>> -> memref<96x64xf32, #tpu.memory_space<vmem>>
      %dma_start3A_108 = arith.constant 104 : i32
      %dma_start3A_109 = tpu.memref_slice %arg8[%add3A_91, %dma_start3A_108] : memref<128x200xi32, #tpu.memory_space<vmem>> -> memref<1x96xi32, #tpu.memory_space<vmem>>
      %dma_start3A_110 = tpu.memref_squeeze %dma_start3A_109 : memref<1x96xi32, #tpu.memory_space<vmem>> -> memref<96xi32, #tpu.memory_space<vmem>>
      %dma_start3A_111 = arith.constant 0 : i32
      %dma_start3A_112 = arith.constant 0 : i32
      %dma_start3A_113 = tpu.memref_slice %arg3[%dma_start3A_111, %dma_start3A_112] : memref<100000x64xf32, #tpu.memory_space<hbm>> -> memref<100000x64xf32, #tpu.memory_space<hbm>>
      tpu.enqueue_indirect_dma source(%dma_start3A_113 : memref<100000x64xf32, #tpu.memory_space<hbm>>) target(%dma_start3A_107 : memref<96x64xf32, #tpu.memory_space<vmem>>) offsets(%dma_start3A_110 : memref<96xi32, #tpu.memory_space<vmem>>) semaphore(%arg15 : memref<!tpu.dma_semaphore, #tpu.memory_space<semaphore_mem>>)
      %dma_wait3A_114 = arith.constant 0 : i32
      %dma_wait3A_115 = arith.constant 0 : i32
      %dma_wait3A_116 = arith.constant 0 : i32
      %dma_wait3A_117 = tpu.memref_slice %arg9[%dma_wait3A_114, %dma_wait3A_115, %dma_wait3A_116] : memref<2x200x64xf32, #tpu.memory_space<vmem>> -> memref<1x104x64xf32, #tpu.memory_space<vmem>>
      %dma_wait3A_118 = tpu.memref_squeeze %dma_wait3A_117 : memref<1x104x64xf32, #tpu.memory_space<vmem>> -> memref<104x64xf32, #tpu.memory_space<vmem>>
      %dma_wait3A_119 = arith.constant 0 : i32
      %dma_wait3A_120 = tpu.memref_slice %arg8[%add3A_89, %dma_wait3A_119] : memref<128x200xi32, #tpu.memory_space<vmem>> -> memref<1x104xi32, #tpu.memory_space<vmem>>
      %dma_wait3A_121 = tpu.memref_squeeze %dma_wait3A_120 : memref<1x104xi32, #tpu.memory_space<vmem>> -> memref<104xi32, #tpu.memory_space<vmem>>
      %dma_wait3A_122 = arith.constant 0 : i32
      %dma_wait3A_123 = arith.constant 0 : i32
      %dma_wait3A_124 = tpu.memref_slice %arg3[%dma_wait3A_122, %dma_wait3A_123] : memref<100000x64xf32, #tpu.memory_space<hbm>> -> memref<100000x64xf32, #tpu.memory_space<hbm>>
      tpu.wait_indirect_dma semaphore(%arg14 : memref<!tpu.dma_semaphore, #tpu.memory_space<semaphore_mem>>) src(%dma_wait3A_124 : memref<100000x64xf32, #tpu.memory_space<hbm>>) dst(%dma_wait3A_118 : memref<104x64xf32, #tpu.memory_space<vmem>>)
      %dma_wait3A_125 = arith.constant 0 : i32
      %dma_wait3A_126 = arith.constant 104 : i32
      %dma_wait3A_127 = arith.constant 0 : i32
      %dma_wait3A_128 = tpu.memref_slice %arg9[%dma_wait3A_125, %dma_wait3A_126, %dma_wait3A_127] : memref<2x200x64xf32, #tpu.memory_space<vmem>> -> memref<1x96x64xf32, #tpu.memory_space<vmem>>
      %dma_wait3A_129 = tpu.memref_squeeze %dma_wait3A_128 : memref<1x96x64xf32, #tpu.memory_space<vmem>> -> memref<96x64xf32, #tpu.memory_space<vmem>>
      %dma_wait3A_130 = arith.constant 104 : i32
      %dma_wait3A_131 = tpu.memref_slice %arg8[%add3A_89, %dma_wait3A_130] : memref<128x200xi32, #tpu.memory_space<vmem>> -> memref<1x96xi32, #tpu.memory_space<vmem>>
      %dma_wait3A_132 = tpu.memref_squeeze %dma_wait3A_131 : memref<1x96xi32, #tpu.memory_space<vmem>> -> memref<96xi32, #tpu.memory_space<vmem>>
      %dma_wait3A_133 = arith.constant 0 : i32
      %dma_wait3A_134 = arith.constant 0 : i32
      %dma_wait3A_135 = tpu.memref_slice %arg3[%dma_wait3A_133, %dma_wait3A_134] : memref<100000x64xf32, #tpu.memory_space<hbm>> -> memref<100000x64xf32, #tpu.memory_space<hbm>>
      tpu.wait_indirect_dma semaphore(%arg14 : memref<!tpu.dma_semaphore, #tpu.memory_space<semaphore_mem>>) src(%dma_wait3A_135 : memref<100000x64xf32, #tpu.memory_space<hbm>>) dst(%dma_wait3A_129 : memref<96x64xf32, #tpu.memory_space<vmem>>)
      %add3A_136 = arith.addi %mul3A_2, %add3A_89 : i32
      %gt3A = arith.constant 0 : i32
      %gt3A_137 = arith.cmpi sgt, %scan3A_84, %gt3A : i32
      %convert_element_type3A = arith.extui %gt3A_137 : i1 to i32
      %cond3A = arith.constant 0 : i32
      %cond3A_138 = arith.cmpi ne, %convert_element_type3A, %cond3A : i32
      scf.if %cond3A_138 {
        %dma_wait3A_215 = arith.constant 0 : i32
        %dma_wait3A_216 = arith.constant 0 : i32
        %dma_wait3A_217 = arith.constant 0 : i32
        %dma_wait3A_218 = tpu.memref_slice %arg10[%dma_wait3A_215, %dma_wait3A_216, %dma_wait3A_217] : memref<2x200x64xf32, #tpu.memory_space<vmem>> -> memref<1x200x64xf32, #tpu.memory_space<vmem>>
        %dma_wait3A_219 = tpu.memref_squeeze %dma_wait3A_218 : memref<1x200x64xf32, #tpu.memory_space<vmem>> -> memref<200x64xf32, #tpu.memory_space<vmem>>
        %dma_wait3A_220 = arith.constant 0 : i32
        %dma_wait3A_221 = arith.constant 0 : i32
        %dma_wait3A_222 = tpu.memref_slice %arg7[%add3A_136, %dma_wait3A_220, %dma_wait3A_221] : memref<4096x200x64xf32, #tpu.memory_space<hbm>> -> memref<1x200x64xf32, #tpu.memory_space<hbm>>
        %dma_wait3A_223 = tpu.memref_squeeze %dma_wait3A_222 : memref<1x200x64xf32, #tpu.memory_space<hbm>> -> memref<200x64xf32, #tpu.memory_space<hbm>>
        %dma_wait3A_224 = arith.constant 0 : i32
        %dma_wait3A_225 = arith.constant 0 : i32
        %dma_wait3A_226 = tpu.memref_slice %arg7[%add3A_136, %dma_wait3A_224, %dma_wait3A_225] : memref<4096x200x64xf32, #tpu.memory_space<hbm>> -> memref<1x200x64xf32, #tpu.memory_space<hbm>>
        %dma_wait3A_227 = tpu.memref_squeeze %dma_wait3A_226 : memref<1x200x64xf32, #tpu.memory_space<hbm>> -> memref<200x64xf32, #tpu.memory_space<hbm>>
        %dma_wait3A_228 = arith.constant 0 : i32
        %dma_wait3A_229 = arith.constant 0 : i32
        %dma_wait3A_230 = tpu.memref_slice %arg10[%dma_wait3A_215, %dma_wait3A_228, %dma_wait3A_229] : memref<2x200x64xf32, #tpu.memory_space<vmem>> -> memref<1x200x64xf32, #tpu.memory_space<vmem>>
        %dma_wait3A_231 = tpu.memref_squeeze %dma_wait3A_230 : memref<1x200x64xf32, #tpu.memory_space<vmem>> -> memref<200x64xf32, #tpu.memory_space<vmem>>
        tpu.wait_dma2 semaphore(%arg16 : memref<!tpu.dma_semaphore, #tpu.memory_space<semaphore_mem>>) src(%dma_wait3A_231 : memref<200x64xf32, #tpu.memory_space<vmem>>) dst(%dma_wait3A_227 : memref<200x64xf32, #tpu.memory_space<hbm>>)
      } else {
      }
      %parallel_loop3A = arith.constant 0 : i32
      %parallel_loop3A_139 = arith.constant 200 : i32
      %parallel_loop3A_140 = arith.constant 1 : i32
      scf.for %parallel_loop3A_215 = %parallel_loop3A to %parallel_loop3A_139 step %parallel_loop3A_140  : i32 {
        %parallel_loop3A_216 = arith.constant 0 : i32
        %parallel_loop3A_217 = arith.index_cast %parallel_loop3A_216 : i32 to index
        %parallel_loop3A_218 = arith.index_cast %parallel_loop3A_215 : i32 to index
        %parallel_loop3A_219 = arith.constant 0 : index
        %parallel_loop3A_220 = tpu.vector_load %arg9[%parallel_loop3A_217, %parallel_loop3A_218, %parallel_loop3A_219] {strides = array<i32>} : memref<2x200x64xf32, #tpu.memory_space<vmem>>, vector<16xf32>,
        %parallel_loop3A_221 = arith.constant 8.000000e+00 : f32
        %parallel_loop3A_222 = vector.broadcast %parallel_loop3A_221 : f32 to vector<16xf32>
        %parallel_loop3A_223 = arith.mulf %parallel_loop3A_220, %parallel_loop3A_222 : vector<16xf32>
        %parallel_loop3A_224 = arith.index_cast %parallel_loop3A_215 : i32 to index
        %parallel_loop3A_225 = arith.constant 0 : index
        %parallel_loop3A_226 = tpu.vector_load %arg11[%parallel_loop3A_224, %parallel_loop3A_225] {strides = array<i32>} : memref<200x64xf32, #tpu.memory_space<vmem>>, vector<16xf32>,
        %parallel_loop3A_227 = arith.addf %parallel_loop3A_223, %parallel_loop3A_226 : vector<16xf32>
        %parallel_loop3A_228 = arith.constant 0 : i32
        %parallel_loop3A_229 = arith.index_cast %parallel_loop3A_228 : i32 to index
        %parallel_loop3A_230 = arith.index_cast %parallel_loop3A_215 : i32 to index
        %parallel_loop3A_231 = arith.constant 16 : index
        %parallel_loop3A_232 = tpu.vector_load %arg9[%parallel_loop3A_229, %parallel_loop3A_230, %parallel_loop3A_231] {strides = array<i32>} : memref<2x200x64xf32, #tpu.memory_space<vmem>>, vector<16xf32>,
        %parallel_loop3A_233 = arith.constant 8.000000e+00 : f32
        %parallel_loop3A_234 = vector.broadcast %parallel_loop3A_233 : f32 to vector<16xf32>
        %parallel_loop3A_235 = arith.mulf %parallel_loop3A_232, %parallel_loop3A_234 : vector<16xf32>
        %parallel_loop3A_236 = arith.index_cast %parallel_loop3A_215 : i32 to index
        %parallel_loop3A_237 = arith.constant 16 : index
        %parallel_loop3A_238 = tpu.vector_load %arg11[%parallel_loop3A_236, %parallel_loop3A_237] {strides = array<i32>} : memref<200x64xf32, #tpu.memory_space<vmem>>, vector<16xf32>,
        %parallel_loop3A_239 = arith.addf %parallel_loop3A_235, %parallel_loop3A_238 : vector<16xf32>
        %parallel_loop3A_240 = arith.constant 0 : i32
        %parallel_loop3A_241 = arith.index_cast %parallel_loop3A_240 : i32 to index
        %parallel_loop3A_242 = arith.index_cast %parallel_loop3A_215 : i32 to index
        %parallel_loop3A_243 = arith.constant 32 : index
        %parallel_loop3A_244 = tpu.vector_load %arg9[%parallel_loop3A_241, %parallel_loop3A_242, %parallel_loop3A_243] {strides = array<i32>} : memref<2x200x64xf32, #tpu.memory_space<vmem>>, vector<16xf32>,
        %parallel_loop3A_245 = arith.constant 8.000000e+00 : f32
        %parallel_loop3A_246 = vector.broadcast %parallel_loop3A_245 : f32 to vector<16xf32>
        %parallel_loop3A_247 = arith.mulf %parallel_loop3A_244, %parallel_loop3A_246 : vector<16xf32>
        %parallel_loop3A_248 = arith.index_cast %parallel_loop3A_215 : i32 to index
        %parallel_loop3A_249 = arith.constant 32 : index
        %parallel_loop3A_250 = tpu.vector_load %arg11[%parallel_loop3A_248, %parallel_loop3A_249] {strides = array<i32>} : memref<200x64xf32, #tpu.memory_space<vmem>>, vector<16xf32>,
        %parallel_loop3A_251 = arith.addf %parallel_loop3A_247, %parallel_loop3A_250 : vector<16xf32>
        %parallel_loop3A_252 = arith.constant 0 : i32
        %parallel_loop3A_253 = arith.index_cast %parallel_loop3A_252 : i32 to index
        %parallel_loop3A_254 = arith.index_cast %parallel_loop3A_215 : i32 to index
        %parallel_loop3A_255 = arith.constant 48 : index
        %parallel_loop3A_256 = tpu.vector_load %arg9[%parallel_loop3A_253, %parallel_loop3A_254, %parallel_loop3A_255] {strides = array<i32>} : memref<2x200x64xf32, #tpu.memory_space<vmem>>, vector<16xf32>,
        %parallel_loop3A_257 = arith.constant 8.000000e+00 : f32
        %parallel_loop3A_258 = vector.broadcast %parallel_loop3A_257 : f32 to vector<16xf32>
        %parallel_loop3A_259 = arith.mulf %parallel_loop3A_256, %parallel_loop3A_258 : vector<16xf32>
        %parallel_loop3A_260 = arith.index_cast %parallel_loop3A_215 : i32 to index
        %parallel_loop3A_261 = arith.constant 48 : index
        %parallel_loop3A_262 = tpu.vector_load %arg11[%parallel_loop3A_260, %parallel_loop3A_261] {strides = array<i32>} : memref<200x64xf32, #tpu.memory_space<vmem>>, vector<16xf32>,
        %parallel_loop3A_263 = arith.addf %parallel_loop3A_259, %parallel_loop3A_262 : vector<16xf32>
        %parallel_loop3A_264 = arith.addf %parallel_loop3A_227, %parallel_loop3A_239 : vector<16xf32>
        %parallel_loop3A_265 = arith.addf %parallel_loop3A_251, %parallel_loop3A_263 : vector<16xf32>
        %parallel_loop3A_266 = arith.addf %parallel_loop3A_264, %parallel_loop3A_265 : vector<16xf32>
        %parallel_loop3A_267 = arith.mulf %parallel_loop3A_227, %parallel_loop3A_227 : vector<16xf32>
        %parallel_loop3A_268 = arith.mulf %parallel_loop3A_239, %parallel_loop3A_239 : vector<16xf32>
        %parallel_loop3A_269 = arith.addf %parallel_loop3A_267, %parallel_loop3A_268 : vector<16xf32>
        %parallel_loop3A_270 = arith.mulf %parallel_loop3A_251, %parallel_loop3A_251 : vector<16xf32>
        %parallel_loop3A_271 = arith.mulf %parallel_loop3A_263, %parallel_loop3A_263 : vector<16xf32>
        %parallel_loop3A_272 = arith.addf %parallel_loop3A_270, %parallel_loop3A_271 : vector<16xf32>
        %parallel_loop3A_273 = arith.addf %parallel_loop3A_269, %parallel_loop3A_272 : vector<16xf32>
        %parallel_loop3A_274 = arith.constant true
        %parallel_loop3A_275 = vector.broadcast %parallel_loop3A_274 : i1 to vector<16xi1>
        %parallel_loop3A_276 = tpu.scan <sum>, %parallel_loop3A_266 masked %parallel_loop3A_275 : vector<16xf32>, vector<16xi1> -> vector<16xf32>
        %parallel_loop3A_277 = vector.extract %parallel_loop3A_276[15] : f32 from vector<16xf32>
        %parallel_loop3A_278 = arith.constant 1.562500e-02 : f32
        %parallel_loop3A_279 = arith.mulf %parallel_loop3A_277, %parallel_loop3A_278 : f32
        %parallel_loop3A_280 = arith.constant true
        %parallel_loop3A_281 = vector.broadcast %parallel_loop3A_280 : i1 to vector<16xi1>
        %parallel_loop3A_282 = tpu.scan <sum>, %parallel_loop3A_273 masked %parallel_loop3A_281 : vector<16xf32>, vector<16xi1> -> vector<16xf32>
        %parallel_loop3A_283 = vector.extract %parallel_loop3A_282[15] : f32 from vector<16xf32>
        %parallel_loop3A_284 = arith.constant 1.562500e-02 : f32
        %parallel_loop3A_285 = arith.mulf %parallel_loop3A_283, %parallel_loop3A_284 : f32
        %parallel_loop3A_286 = arith.mulf %parallel_loop3A_279, %parallel_loop3A_279 : f32
        %parallel_loop3A_287 = arith.subf %parallel_loop3A_285, %parallel_loop3A_286 : f32
        %parallel_loop3A_288 = arith.constant 9.99999974E-6 : f32
        %parallel_loop3A_289 = arith.addf %parallel_loop3A_287, %parallel_loop3A_288 : f32
        %parallel_loop3A_290 = arith.bitcast %parallel_loop3A_289 : f32 to i32
        %parallel_loop3A_291 = arith.constant 1 : i32
        %parallel_loop3A_292 = arith.shrui %parallel_loop3A_290, %parallel_loop3A_291 : i32
        %parallel_loop3A_293 = arith.constant 1597463007 : i32
        %parallel_loop3A_294 = arith.subi %parallel_loop3A_293, %parallel_loop3A_292 : i32
        %parallel_loop3A_295 = arith.bitcast %parallel_loop3A_294 : i32 to f32
        %parallel_loop3A_296 = arith.constant 5.000000e-01 : f32
        %parallel_loop3A_297 = arith.mulf %parallel_loop3A_296, %parallel_loop3A_289 : f32
        %parallel_loop3A_298 = arith.mulf %parallel_loop3A_297, %parallel_loop3A_295 : f32
        %parallel_loop3A_299 = arith.mulf %parallel_loop3A_298, %parallel_loop3A_295 : f32
        %parallel_loop3A_300 = arith.constant 1.500000e+00 : f32
        %parallel_loop3A_301 = arith.subf %parallel_loop3A_300, %parallel_loop3A_299 : f32
        %parallel_loop3A_302 = arith.mulf %parallel_loop3A_295, %parallel_loop3A_301 : f32
        %parallel_loop3A_303 = arith.mulf %parallel_loop3A_297, %parallel_loop3A_302 : f32
        %parallel_loop3A_304 = arith.mulf %parallel_loop3A_303, %parallel_loop3A_302 : f32
        %parallel_loop3A_305 = arith.constant 1.500000e+00 : f32
        %parallel_loop3A_306 = arith.subf %parallel_loop3A_305, %parallel_loop3A_304 : f32
        %parallel_loop3A_307 = arith.mulf %parallel_loop3A_302, %parallel_loop3A_306 : f32
        %parallel_loop3A_308 = arith.mulf %parallel_loop3A_297, %parallel_loop3A_307 : f32
        %parallel_loop3A_309 = arith.mulf %parallel_loop3A_308, %parallel_loop3A_307 : f32
        %parallel_loop3A_310 = arith.constant 1.500000e+00 : f32
        %parallel_loop3A_311 = arith.subf %parallel_loop3A_310, %parallel_loop3A_309 : f32
        %parallel_loop3A_312 = arith.mulf %parallel_loop3A_307, %parallel_loop3A_311 : f32
        %parallel_loop3A_313 = arith.mulf %parallel_loop3A_279, %parallel_loop3A_312 : f32
        %parallel_loop3A_314 = vector.broadcast %parallel_loop3A_312 : f32 to vector<16xf32>
        %parallel_loop3A_315 = arith.mulf %parallel_loop3A_227, %parallel_loop3A_314 : vector<16xf32>
        %parallel_loop3A_316 = vector.broadcast %parallel_loop3A_313 : f32 to vector<16xf32>
        %parallel_loop3A_317 = arith.subf %parallel_loop3A_315, %parallel_loop3A_316 : vector<16xf32>
        %parallel_loop3A_318 = arith.mulf %parallel_loop3A_317, %get3A_3 : vector<16xf32>
        %parallel_loop3A_319 = arith.addf %parallel_loop3A_318, %get3A_11 : vector<16xf32>
        %parallel_loop3A_320 = arith.constant 0 : i32
        %parallel_loop3A_321 = arith.index_cast %parallel_loop3A_320 : i32 to index
        %parallel_loop3A_322 = arith.index_cast %parallel_loop3A_215 : i32 to index
        %parallel_loop3A_323 = arith.constant 0 : index
        %parallel_loop3A_324 = tpu.vector_load %arg10[%parallel_loop3A_321, %parallel_loop3A_322, %parallel_loop3A_323] {strides = array<i32>} : memref<2x200x64xf32, #tpu.memory_space<vmem>>, vector<16xf32>,
        tpu.vector_store %arg10[%parallel_loop3A_321, %parallel_loop3A_322, %parallel_loop3A_323], %parallel_loop3A_319 {strides = array<i32>} : memref<2x200x64xf32, #tpu.memory_space<vmem>>, vector<16xf32>,
        %parallel_loop3A_325 = vector.broadcast %parallel_loop3A_312 : f32 to vector<16xf32>
        %parallel_loop3A_326 = arith.mulf %parallel_loop3A_239, %parallel_loop3A_325 : vector<16xf32>
        %parallel_loop3A_327 = vector.broadcast %parallel_loop3A_313 : f32 to vector<16xf32>
        %parallel_loop3A_328 = arith.subf %parallel_loop3A_326, %parallel_loop3A_327 : vector<16xf32>
        %parallel_loop3A_329 = arith.mulf %parallel_loop3A_328, %get3A_5 : vector<16xf32>
        %parallel_loop3A_330 = arith.addf %parallel_loop3A_329, %get3A_13 : vector<16xf32>
        %parallel_loop3A_331 = arith.constant 0 : i32
        %parallel_loop3A_332 = arith.index_cast %parallel_loop3A_331 : i32 to index
        %parallel_loop3A_333 = arith.index_cast %parallel_loop3A_215 : i32 to index
        %parallel_loop3A_334 = arith.constant 16 : index
        %parallel_loop3A_335 = tpu.vector_load %arg10[%parallel_loop3A_332, %parallel_loop3A_333, %parallel_loop3A_334] {strides = array<i32>} : memref<2x200x64xf32, #tpu.memory_space<vmem>>, vector<16xf32>,
        tpu.vector_store %arg10[%parallel_loop3A_332, %parallel_loop3A_333, %parallel_loop3A_334], %parallel_loop3A_330 {strides = array<i32>} : memref<2x200x64xf32, #tpu.memory_space<vmem>>, vector<16xf32>,
        %parallel_loop3A_336 = vector.broadcast %parallel_loop3A_312 : f32 to vector<16xf32>
        %parallel_loop3A_337 = arith.mulf %parallel_loop3A_251, %parallel_loop3A_336 : vector<16xf32>
        %parallel_loop3A_338 = vector.broadcast %parallel_loop3A_313 : f32 to vector<16xf32>
        %parallel_loop3A_339 = arith.subf %parallel_loop3A_337, %parallel_loop3A_338 : vector<16xf32>
        %parallel_loop3A_340 = arith.mulf %parallel_loop3A_339, %get3A_7 : vector<16xf32>
        %parallel_loop3A_341 = arith.addf %parallel_loop3A_340, %get3A_15 : vector<16xf32>
        %parallel_loop3A_342 = arith.constant 0 : i32
        %parallel_loop3A_343 = arith.index_cast %parallel_loop3A_342 : i32 to index
        %parallel_loop3A_344 = arith.index_cast %parallel_loop3A_215 : i32 to index
        %parallel_loop3A_345 = arith.constant 32 : index
        %parallel_loop3A_346 = tpu.vector_load %arg10[%parallel_loop3A_343, %parallel_loop3A_344, %parallel_loop3A_345] {strides = array<i32>} : memref<2x200x64xf32, #tpu.memory_space<vmem>>, vector<16xf32>,
        tpu.vector_store %arg10[%parallel_loop3A_343, %parallel_loop3A_344, %parallel_loop3A_345], %parallel_loop3A_341 {strides = array<i32>} : memref<2x200x64xf32, #tpu.memory_space<vmem>>, vector<16xf32>,
        %parallel_loop3A_347 = vector.broadcast %parallel_loop3A_312 : f32 to vector<16xf32>
        %parallel_loop3A_348 = arith.mulf %parallel_loop3A_263, %parallel_loop3A_347 : vector<16xf32>
        %parallel_loop3A_349 = vector.broadcast %parallel_loop3A_313 : f32 to vector<16xf32>
        %parallel_loop3A_350 = arith.subf %parallel_loop3A_348, %parallel_loop3A_349 : vector<16xf32>
        %parallel_loop3A_351 = arith.mulf %parallel_loop3A_350, %get3A_9 : vector<16xf32>
        %parallel_loop3A_352 = arith.addf %parallel_loop3A_351, %get3A_17 : vector<16xf32>
        %parallel_loop3A_353 = arith.constant 0 : i32
        %parallel_loop3A_354 = arith.index_cast %parallel_loop3A_353 : i32 to index
        %parallel_loop3A_355 = arith.index_cast %parallel_loop3A_215 : i32 to index
        %parallel_loop3A_356 = arith.constant 48 : index
        %parallel_loop3A_357 = tpu.vector_load %arg10[%parallel_loop3A_354, %parallel_loop3A_355, %parallel_loop3A_356] {strides = array<i32>} : memref<2x200x64xf32, #tpu.memory_space<vmem>>, vector<16xf32>,
        tpu.vector_store %arg10[%parallel_loop3A_354, %parallel_loop3A_355, %parallel_loop3A_356], %parallel_loop3A_352 {strides = array<i32>} : memref<2x200x64xf32, #tpu.memory_space<vmem>>, vector<16xf32>,
      } {sc.loop_unroll_factor = 2 : i64, sc.parallel_access}
      %dma_start3A_141 = arith.constant 0 : i32
      %dma_start3A_142 = arith.constant 0 : i32
      %dma_start3A_143 = arith.constant 0 : i32
      %dma_start3A_144 = tpu.memref_slice %arg10[%dma_start3A_141, %dma_start3A_142, %dma_start3A_143] : memref<2x200x64xf32, #tpu.memory_space<vmem>> -> memref<1x200x64xf32, #tpu.memory_space<vmem>>
      %dma_start3A_145 = tpu.memref_squeeze %dma_start3A_144 : memref<1x200x64xf32, #tpu.memory_space<vmem>> -> memref<200x64xf32, #tpu.memory_space<vmem>>
      %dma_start3A_146 = arith.constant 0 : i32
      %dma_start3A_147 = arith.constant 0 : i32
      %dma_start3A_148 = tpu.memref_slice %arg7[%add3A_136, %dma_start3A_146, %dma_start3A_147] : memref<4096x200x64xf32, #tpu.memory_space<hbm>> -> memref<1x200x64xf32, #tpu.memory_space<hbm>>
      %dma_start3A_149 = tpu.memref_squeeze %dma_start3A_148 : memref<1x200x64xf32, #tpu.memory_space<hbm>> -> memref<200x64xf32, #tpu.memory_space<hbm>>
      %dma_start3A_150 = arith.constant 0 : i32
      %dma_start3A_151 = arith.constant 0 : i32
      %dma_start3A_152 = tpu.memref_slice %arg7[%add3A_136, %dma_start3A_150, %dma_start3A_151] : memref<4096x200x64xf32, #tpu.memory_space<hbm>> -> memref<1x200x64xf32, #tpu.memory_space<hbm>>
      %dma_start3A_153 = tpu.memref_squeeze %dma_start3A_152 : memref<1x200x64xf32, #tpu.memory_space<hbm>> -> memref<200x64xf32, #tpu.memory_space<hbm>>
      %dma_start3A_154 = arith.constant 0 : i32
      %dma_start3A_155 = arith.constant 0 : i32
      %dma_start3A_156 = tpu.memref_slice %arg10[%dma_start3A_141, %dma_start3A_154, %dma_start3A_155] : memref<2x200x64xf32, #tpu.memory_space<vmem>> -> memref<1x200x64xf32, #tpu.memory_space<vmem>>
      %dma_start3A_157 = tpu.memref_squeeze %dma_start3A_156 : memref<1x200x64xf32, #tpu.memory_space<vmem>> -> memref<200x64xf32, #tpu.memory_space<vmem>>
      tpu.enqueue_dma source(%dma_start3A_157 : memref<200x64xf32, #tpu.memory_space<vmem>>) target(%dma_start3A_153 : memref<200x64xf32, #tpu.memory_space<hbm>>) target_semaphore(%arg16 : memref<!tpu.dma_semaphore, #tpu.memory_space<semaphore_mem>>)
      %mul3A_158 = arith.constant 2 : i32
      %mul3A_159 = arith.muli %scan3A_84, %mul3A_158 : i32
      %add3A_160 = arith.constant 1 : i32
      %add3A_161 = arith.addi %mul3A_159, %add3A_160 : i32
      %lt3A = arith.constant 63 : i32
      %lt3A_162 = arith.cmpi slt, %scan3A_84, %lt3A : i32
      %convert_element_type3A_163 = arith.extui %lt3A_162 : i1 to i32
      %cond3A_164 = arith.constant 0 : i32
      %cond3A_165 = arith.cmpi ne, %convert_element_type3A_163, %cond3A_164 : i32
      scf.if %cond3A_165 {
        %add3A_215 = arith.constant 1 : i32
        %add3A_216 = arith.addi %add3A_161, %add3A_215 : i32
        %dma_start3A_217 = arith.constant 0 : i32
        %dma_start3A_218 = arith.constant 0 : i32
        %dma_start3A_219 = arith.constant 0 : i32
        %dma_start3A_220 = tpu.memref_slice %arg9[%dma_start3A_217, %dma_start3A_218, %dma_start3A_219] : memref<2x200x64xf32, #tpu.memory_space<vmem>> -> memref<1x104x64xf32, #tpu.memory_space<vmem>>
        %dma_start3A_221 = tpu.memref_squeeze %dma_start3A_220 : memref<1x104x64xf32, #tpu.memory_space<vmem>> -> memref<104x64xf32, #tpu.memory_space<vmem>>
        %dma_start3A_222 = arith.constant 0 : i32
        %dma_start3A_223 = tpu.memref_slice %arg8[%add3A_216, %dma_start3A_222] : memref<128x200xi32, #tpu.memory_space<vmem>> -> memref<1x104xi32, #tpu.memory_space<vmem>>
        %dma_start3A_224 = tpu.memref_squeeze %dma_start3A_223 : memref<1x104xi32, #tpu.memory_space<vmem>> -> memref<104xi32, #tpu.memory_space<vmem>>
        %dma_start3A_225 = arith.constant 0 : i32
        %dma_start3A_226 = arith.constant 0 : i32
        %dma_start3A_227 = tpu.memref_slice %arg3[%dma_start3A_225, %dma_start3A_226] : memref<100000x64xf32, #tpu.memory_space<hbm>> -> memref<100000x64xf32, #tpu.memory_space<hbm>>
        tpu.enqueue_indirect_dma source(%dma_start3A_227 : memref<100000x64xf32, #tpu.memory_space<hbm>>) target(%dma_start3A_221 : memref<104x64xf32, #tpu.memory_space<vmem>>) offsets(%dma_start3A_224 : memref<104xi32, #tpu.memory_space<vmem>>) semaphore(%arg14 : memref<!tpu.dma_semaphore, #tpu.memory_space<semaphore_mem>>)
        %dma_start3A_228 = arith.constant 0 : i32
        %dma_start3A_229 = arith.constant 104 : i32
        %dma_start3A_230 = arith.constant 0 : i32
        %dma_start3A_231 = tpu.memref_slice %arg9[%dma_start3A_228, %dma_start3A_229, %dma_start3A_230] : memref<2x200x64xf32, #tpu.memory_space<vmem>> -> memref<1x96x64xf32, #tpu.memory_space<vmem>>
        %dma_start3A_232 = tpu.memref_squeeze %dma_start3A_231 : memref<1x96x64xf32, #tpu.memory_space<vmem>> -> memref<96x64xf32, #tpu.memory_space<vmem>>
        %dma_start3A_233 = arith.constant 104 : i32
        %dma_start3A_234 = tpu.memref_slice %arg8[%add3A_216, %dma_start3A_233] : memref<128x200xi32, #tpu.memory_space<vmem>> -> memref<1x96xi32, #tpu.memory_space<vmem>>
        %dma_start3A_235 = tpu.memref_squeeze %dma_start3A_234 : memref<1x96xi32, #tpu.memory_space<vmem>> -> memref<96xi32, #tpu.memory_space<vmem>>
        %dma_start3A_236 = arith.constant 0 : i32
        %dma_start3A_237 = arith.constant 0 : i32
        %dma_start3A_238 = tpu.memref_slice %arg3[%dma_start3A_236, %dma_start3A_237] : memref<100000x64xf32, #tpu.memory_space<hbm>> -> memref<100000x64xf32, #tpu.memory_space<hbm>>
        tpu.enqueue_indirect_dma source(%dma_start3A_238 : memref<100000x64xf32, #tpu.memory_space<hbm>>) target(%dma_start3A_232 : memref<96x64xf32, #tpu.memory_space<vmem>>) offsets(%dma_start3A_235 : memref<96xi32, #tpu.memory_space<vmem>>) semaphore(%arg14 : memref<!tpu.dma_semaphore, #tpu.memory_space<semaphore_mem>>)
      } else {
      }
      %dma_wait3A_166 = arith.constant 1 : i32
      %dma_wait3A_167 = arith.constant 0 : i32
      %dma_wait3A_168 = arith.constant 0 : i32
      %dma_wait3A_169 = tpu.memref_slice %arg9[%dma_wait3A_166, %dma_wait3A_167, %dma_wait3A_168] : memref<2x200x64xf32, #tpu.memory_space<vmem>> -> memref<1x104x64xf32, #tpu.memory_space<vmem>>
      %dma_wait3A_170 = tpu.memref_squeeze %dma_wait3A_169 : memref<1x104x64xf32, #tpu.memory_space<vmem>> -> memref<104x64xf32, #tpu.memory_space<vmem>>
      %dma_wait3A_171 = arith.constant 0 : i32
      %dma_wait3A_172 = tpu.memref_slice %arg8[%add3A_161, %dma_wait3A_171] : memref<128x200xi32, #tpu.memory_space<vmem>> -> memref<1x104xi32, #tpu.memory_space<vmem>>
      %dma_wait3A_173 = tpu.memref_squeeze %dma_wait3A_172 : memref<1x104xi32, #tpu.memory_space<vmem>> -> memref<104xi32, #tpu.memory_space<vmem>>
      %dma_wait3A_174 = arith.constant 0 : i32
      %dma_wait3A_175 = arith.constant 0 : i32
      %dma_wait3A_176 = tpu.memref_slice %arg3[%dma_wait3A_174, %dma_wait3A_175] : memref<100000x64xf32, #tpu.memory_space<hbm>> -> memref<100000x64xf32, #tpu.memory_space<hbm>>
      tpu.wait_indirect_dma semaphore(%arg15 : memref<!tpu.dma_semaphore, #tpu.memory_space<semaphore_mem>>) src(%dma_wait3A_176 : memref<100000x64xf32, #tpu.memory_space<hbm>>) dst(%dma_wait3A_170 : memref<104x64xf32, #tpu.memory_space<vmem>>)
      %dma_wait3A_177 = arith.constant 1 : i32
      %dma_wait3A_178 = arith.constant 104 : i32
      %dma_wait3A_179 = arith.constant 0 : i32
      %dma_wait3A_180 = tpu.memref_slice %arg9[%dma_wait3A_177, %dma_wait3A_178, %dma_wait3A_179] : memref<2x200x64xf32, #tpu.memory_space<vmem>> -> memref<1x96x64xf32, #tpu.memory_space<vmem>>
      %dma_wait3A_181 = tpu.memref_squeeze %dma_wait3A_180 : memref<1x96x64xf32, #tpu.memory_space<vmem>> -> memref<96x64xf32, #tpu.memory_space<vmem>>
      %dma_wait3A_182 = arith.constant 104 : i32
      %dma_wait3A_183 = tpu.memref_slice %arg8[%add3A_161, %dma_wait3A_182] : memref<128x200xi32, #tpu.memory_space<vmem>> -> memref<1x96xi32, #tpu.memory_space<vmem>>
      %dma_wait3A_184 = tpu.memref_squeeze %dma_wait3A_183 : memref<1x96xi32, #tpu.memory_space<vmem>> -> memref<96xi32, #tpu.memory_space<vmem>>
      %dma_wait3A_185 = arith.constant 0 : i32
      %dma_wait3A_186 = arith.constant 0 : i32
      %dma_wait3A_187 = tpu.memref_slice %arg3[%dma_wait3A_185, %dma_wait3A_186] : memref<100000x64xf32, #tpu.memory_space<hbm>> -> memref<100000x64xf32, #tpu.memory_space<hbm>>
      tpu.wait_indirect_dma semaphore(%arg15 : memref<!tpu.dma_semaphore, #tpu.memory_space<semaphore_mem>>) src(%dma_wait3A_187 : memref<100000x64xf32, #tpu.memory_space<hbm>>) dst(%dma_wait3A_181 : memref<96x64xf32, #tpu.memory_space<vmem>>)
      %add3A_188 = arith.addi %mul3A_2, %add3A_161 : i32
      %gt3A_189 = arith.constant 0 : i32
      %gt3A_190 = arith.cmpi sgt, %scan3A_84, %gt3A_189 : i32
      %convert_element_type3A_191 = arith.extui %gt3A_190 : i1 to i32
      %cond3A_192 = arith.constant 0 : i32
      %cond3A_193 = arith.cmpi ne, %convert_element_type3A_191, %cond3A_192 : i32
      scf.if %cond3A_193 {
        %dma_wait3A_215 = arith.constant 1 : i32
        %dma_wait3A_216 = arith.constant 0 : i32
        %dma_wait3A_217 = arith.constant 0 : i32
        %dma_wait3A_218 = tpu.memref_slice %arg10[%dma_wait3A_215, %dma_wait3A_216, %dma_wait3A_217] : memref<2x200x64xf32, #tpu.memory_space<vmem>> -> memref<1x200x64xf32, #tpu.memory_space<vmem>>
        %dma_wait3A_219 = tpu.memref_squeeze %dma_wait3A_218 : memref<1x200x64xf32, #tpu.memory_space<vmem>> -> memref<200x64xf32, #tpu.memory_space<vmem>>
        %dma_wait3A_220 = arith.constant 0 : i32
        %dma_wait3A_221 = arith.constant 0 : i32
        %dma_wait3A_222 = tpu.memref_slice %arg7[%add3A_188, %dma_wait3A_220, %dma_wait3A_221] : memref<4096x200x64xf32, #tpu.memory_space<hbm>> -> memref<1x200x64xf32, #tpu.memory_space<hbm>>
        %dma_wait3A_223 = tpu.memref_squeeze %dma_wait3A_222 : memref<1x200x64xf32, #tpu.memory_space<hbm>> -> memref<200x64xf32, #tpu.memory_space<hbm>>
        %dma_wait3A_224 = arith.constant 0 : i32
        %dma_wait3A_225 = arith.constant 0 : i32
        %dma_wait3A_226 = tpu.memref_slice %arg7[%add3A_188, %dma_wait3A_224, %dma_wait3A_225] : memref<4096x200x64xf32, #tpu.memory_space<hbm>> -> memref<1x200x64xf32, #tpu.memory_space<hbm>>
        %dma_wait3A_227 = tpu.memref_squeeze %dma_wait3A_226 : memref<1x200x64xf32, #tpu.memory_space<hbm>> -> memref<200x64xf32, #tpu.memory_space<hbm>>
        %dma_wait3A_228 = arith.constant 0 : i32
        %dma_wait3A_229 = arith.constant 0 : i32
        %dma_wait3A_230 = tpu.memref_slice %arg10[%dma_wait3A_215, %dma_wait3A_228, %dma_wait3A_229] : memref<2x200x64xf32, #tpu.memory_space<vmem>> -> memref<1x200x64xf32, #tpu.memory_space<vmem>>
        %dma_wait3A_231 = tpu.memref_squeeze %dma_wait3A_230 : memref<1x200x64xf32, #tpu.memory_space<vmem>> -> memref<200x64xf32, #tpu.memory_space<vmem>>
        tpu.wait_dma2 semaphore(%arg17 : memref<!tpu.dma_semaphore, #tpu.memory_space<semaphore_mem>>) src(%dma_wait3A_231 : memref<200x64xf32, #tpu.memory_space<vmem>>) dst(%dma_wait3A_227 : memref<200x64xf32, #tpu.memory_space<hbm>>)
      } else {
      }
      %parallel_loop3A_194 = arith.constant 0 : i32
      %parallel_loop3A_195 = arith.constant 200 : i32
      %parallel_loop3A_196 = arith.constant 1 : i32
      scf.for %parallel_loop3A_215 = %parallel_loop3A_194 to %parallel_loop3A_195 step %parallel_loop3A_196  : i32 {
        %parallel_loop3A_216 = arith.constant 1 : i32
        %parallel_loop3A_217 = arith.index_cast %parallel_loop3A_216 : i32 to index
        %parallel_loop3A_218 = arith.index_cast %parallel_loop3A_215 : i32 to index
        %parallel_loop3A_219 = arith.constant 0 : index
        %parallel_loop3A_220 = tpu.vector_load %arg9[%parallel_loop3A_217, %parallel_loop3A_218, %parallel_loop3A_219] {strides = array<i32>} : memref<2x200x64xf32, #tpu.memory_space<vmem>>, vector<16xf32>,
        %parallel_loop3A_221 = arith.constant 8.000000e+00 : f32
        %parallel_loop3A_222 = vector.broadcast %parallel_loop3A_221 : f32 to vector<16xf32>
        %parallel_loop3A_223 = arith.mulf %parallel_loop3A_220, %parallel_loop3A_222 : vector<16xf32>
        %parallel_loop3A_224 = arith.index_cast %parallel_loop3A_215 : i32 to index
        %parallel_loop3A_225 = arith.constant 0 : index
        %parallel_loop3A_226 = tpu.vector_load %arg11[%parallel_loop3A_224, %parallel_loop3A_225] {strides = array<i32>} : memref<200x64xf32, #tpu.memory_space<vmem>>, vector<16xf32>,
        %parallel_loop3A_227 = arith.addf %parallel_loop3A_223, %parallel_loop3A_226 : vector<16xf32>
        %parallel_loop3A_228 = arith.constant 1 : i32
        %parallel_loop3A_229 = arith.index_cast %parallel_loop3A_228 : i32 to index
        %parallel_loop3A_230 = arith.index_cast %parallel_loop3A_215 : i32 to index
        %parallel_loop3A_231 = arith.constant 16 : index
        %parallel_loop3A_232 = tpu.vector_load %arg9[%parallel_loop3A_229, %parallel_loop3A_230, %parallel_loop3A_231] {strides = array<i32>} : memref<2x200x64xf32, #tpu.memory_space<vmem>>, vector<16xf32>,
        %parallel_loop3A_233 = arith.constant 8.000000e+00 : f32
        %parallel_loop3A_234 = vector.broadcast %parallel_loop3A_233 : f32 to vector<16xf32>
        %parallel_loop3A_235 = arith.mulf %parallel_loop3A_232, %parallel_loop3A_234 : vector<16xf32>
        %parallel_loop3A_236 = arith.index_cast %parallel_loop3A_215 : i32 to index
        %parallel_loop3A_237 = arith.constant 16 : index
        %parallel_loop3A_238 = tpu.vector_load %arg11[%parallel_loop3A_236, %parallel_loop3A_237] {strides = array<i32>} : memref<200x64xf32, #tpu.memory_space<vmem>>, vector<16xf32>,
        %parallel_loop3A_239 = arith.addf %parallel_loop3A_235, %parallel_loop3A_238 : vector<16xf32>
        %parallel_loop3A_240 = arith.constant 1 : i32
        %parallel_loop3A_241 = arith.index_cast %parallel_loop3A_240 : i32 to index
        %parallel_loop3A_242 = arith.index_cast %parallel_loop3A_215 : i32 to index
        %parallel_loop3A_243 = arith.constant 32 : index
        %parallel_loop3A_244 = tpu.vector_load %arg9[%parallel_loop3A_241, %parallel_loop3A_242, %parallel_loop3A_243] {strides = array<i32>} : memref<2x200x64xf32, #tpu.memory_space<vmem>>, vector<16xf32>,
        %parallel_loop3A_245 = arith.constant 8.000000e+00 : f32
        %parallel_loop3A_246 = vector.broadcast %parallel_loop3A_245 : f32 to vector<16xf32>
        %parallel_loop3A_247 = arith.mulf %parallel_loop3A_244, %parallel_loop3A_246 : vector<16xf32>
        %parallel_loop3A_248 = arith.index_cast %parallel_loop3A_215 : i32 to index
        %parallel_loop3A_249 = arith.constant 32 : index
        %parallel_loop3A_250 = tpu.vector_load %arg11[%parallel_loop3A_248, %parallel_loop3A_249] {strides = array<i32>} : memref<200x64xf32, #tpu.memory_space<vmem>>, vector<16xf32>,
        %parallel_loop3A_251 = arith.addf %parallel_loop3A_247, %parallel_loop3A_250 : vector<16xf32>
        %parallel_loop3A_252 = arith.constant 1 : i32
        %parallel_loop3A_253 = arith.index_cast %parallel_loop3A_252 : i32 to index
        %parallel_loop3A_254 = arith.index_cast %parallel_loop3A_215 : i32 to index
        %parallel_loop3A_255 = arith.constant 48 : index
        %parallel_loop3A_256 = tpu.vector_load %arg9[%parallel_loop3A_253, %parallel_loop3A_254, %parallel_loop3A_255] {strides = array<i32>} : memref<2x200x64xf32, #tpu.memory_space<vmem>>, vector<16xf32>,
        %parallel_loop3A_257 = arith.constant 8.000000e+00 : f32
        %parallel_loop3A_258 = vector.broadcast %parallel_loop3A_257 : f32 to vector<16xf32>
        %parallel_loop3A_259 = arith.mulf %parallel_loop3A_256, %parallel_loop3A_258 : vector<16xf32>
        %parallel_loop3A_260 = arith.index_cast %parallel_loop3A_215 : i32 to index
        %parallel_loop3A_261 = arith.constant 48 : index
        %parallel_loop3A_262 = tpu.vector_load %arg11[%parallel_loop3A_260, %parallel_loop3A_261] {strides = array<i32>} : memref<200x64xf32, #tpu.memory_space<vmem>>, vector<16xf32>,
        %parallel_loop3A_263 = arith.addf %parallel_loop3A_259, %parallel_loop3A_262 : vector<16xf32>
        %parallel_loop3A_264 = arith.addf %parallel_loop3A_227, %parallel_loop3A_239 : vector<16xf32>
        %parallel_loop3A_265 = arith.addf %parallel_loop3A_251, %parallel_loop3A_263 : vector<16xf32>
        %parallel_loop3A_266 = arith.addf %parallel_loop3A_264, %parallel_loop3A_265 : vector<16xf32>
        %parallel_loop3A_267 = arith.mulf %parallel_loop3A_227, %parallel_loop3A_227 : vector<16xf32>
        %parallel_loop3A_268 = arith.mulf %parallel_loop3A_239, %parallel_loop3A_239 : vector<16xf32>
        %parallel_loop3A_269 = arith.addf %parallel_loop3A_267, %parallel_loop3A_268 : vector<16xf32>
        %parallel_loop3A_270 = arith.mulf %parallel_loop3A_251, %parallel_loop3A_251 : vector<16xf32>
        %parallel_loop3A_271 = arith.mulf %parallel_loop3A_263, %parallel_loop3A_263 : vector<16xf32>
        %parallel_loop3A_272 = arith.addf %parallel_loop3A_270, %parallel_loop3A_271 : vector<16xf32>
        %parallel_loop3A_273 = arith.addf %parallel_loop3A_269, %parallel_loop3A_272 : vector<16xf32>
        %parallel_loop3A_274 = arith.constant true
        %parallel_loop3A_275 = vector.broadcast %parallel_loop3A_274 : i1 to vector<16xi1>
        %parallel_loop3A_276 = tpu.scan <sum>, %parallel_loop3A_266 masked %parallel_loop3A_275 : vector<16xf32>, vector<16xi1> -> vector<16xf32>
        %parallel_loop3A_277 = vector.extract %parallel_loop3A_276[15] : f32 from vector<16xf32>
        %parallel_loop3A_278 = arith.constant 1.562500e-02 : f32
        %parallel_loop3A_279 = arith.mulf %parallel_loop3A_277, %parallel_loop3A_278 : f32
        %parallel_loop3A_280 = arith.constant true
        %parallel_loop3A_281 = vector.broadcast %parallel_loop3A_280 : i1 to vector<16xi1>
        %parallel_loop3A_282 = tpu.scan <sum>, %parallel_loop3A_273 masked %parallel_loop3A_281 : vector<16xf32>, vector<16xi1> -> vector<16xf32>
        %parallel_loop3A_283 = vector.extract %parallel_loop3A_282[15] : f32 from vector<16xf32>
        %parallel_loop3A_284 = arith.constant 1.562500e-02 : f32
        %parallel_loop3A_285 = arith.mulf %parallel_loop3A_283, %parallel_loop3A_284 : f32
        %parallel_loop3A_286 = arith.mulf %parallel_loop3A_279, %parallel_loop3A_279 : f32
        %parallel_loop3A_287 = arith.subf %parallel_loop3A_285, %parallel_loop3A_286 : f32
        %parallel_loop3A_288 = arith.constant 9.99999974E-6 : f32
        %parallel_loop3A_289 = arith.addf %parallel_loop3A_287, %parallel_loop3A_288 : f32
        %parallel_loop3A_290 = arith.bitcast %parallel_loop3A_289 : f32 to i32
        %parallel_loop3A_291 = arith.constant 1 : i32
        %parallel_loop3A_292 = arith.shrui %parallel_loop3A_290, %parallel_loop3A_291 : i32
        %parallel_loop3A_293 = arith.constant 1597463007 : i32
        %parallel_loop3A_294 = arith.subi %parallel_loop3A_293, %parallel_loop3A_292 : i32
        %parallel_loop3A_295 = arith.bitcast %parallel_loop3A_294 : i32 to f32
        %parallel_loop3A_296 = arith.constant 5.000000e-01 : f32
        %parallel_loop3A_297 = arith.mulf %parallel_loop3A_296, %parallel_loop3A_289 : f32
        %parallel_loop3A_298 = arith.mulf %parallel_loop3A_297, %parallel_loop3A_295 : f32
        %parallel_loop3A_299 = arith.mulf %parallel_loop3A_298, %parallel_loop3A_295 : f32
        %parallel_loop3A_300 = arith.constant 1.500000e+00 : f32
        %parallel_loop3A_301 = arith.subf %parallel_loop3A_300, %parallel_loop3A_299 : f32
        %parallel_loop3A_302 = arith.mulf %parallel_loop3A_295, %parallel_loop3A_301 : f32
        %parallel_loop3A_303 = arith.mulf %parallel_loop3A_297, %parallel_loop3A_302 : f32
        %parallel_loop3A_304 = arith.mulf %parallel_loop3A_303, %parallel_loop3A_302 : f32
        %parallel_loop3A_305 = arith.constant 1.500000e+00 : f32
        %parallel_loop3A_306 = arith.subf %parallel_loop3A_305, %parallel_loop3A_304 : f32
        %parallel_loop3A_307 = arith.mulf %parallel_loop3A_302, %parallel_loop3A_306 : f32
        %parallel_loop3A_308 = arith.mulf %parallel_loop3A_297, %parallel_loop3A_307 : f32
        %parallel_loop3A_309 = arith.mulf %parallel_loop3A_308, %parallel_loop3A_307 : f32
        %parallel_loop3A_310 = arith.constant 1.500000e+00 : f32
        %parallel_loop3A_311 = arith.subf %parallel_loop3A_310, %parallel_loop3A_309 : f32
        %parallel_loop3A_312 = arith.mulf %parallel_loop3A_307, %parallel_loop3A_311 : f32
        %parallel_loop3A_313 = arith.mulf %parallel_loop3A_279, %parallel_loop3A_312 : f32
        %parallel_loop3A_314 = vector.broadcast %parallel_loop3A_312 : f32 to vector<16xf32>
        %parallel_loop3A_315 = arith.mulf %parallel_loop3A_227, %parallel_loop3A_314 : vector<16xf32>
        %parallel_loop3A_316 = vector.broadcast %parallel_loop3A_313 : f32 to vector<16xf32>
        %parallel_loop3A_317 = arith.subf %parallel_loop3A_315, %parallel_loop3A_316 : vector<16xf32>
        %parallel_loop3A_318 = arith.mulf %parallel_loop3A_317, %get3A_3 : vector<16xf32>
        %parallel_loop3A_319 = arith.addf %parallel_loop3A_318, %get3A_11 : vector<16xf32>
        %parallel_loop3A_320 = arith.constant 1 : i32
        %parallel_loop3A_321 = arith.index_cast %parallel_loop3A_320 : i32 to index
        %parallel_loop3A_322 = arith.index_cast %parallel_loop3A_215 : i32 to index
        %parallel_loop3A_323 = arith.constant 0 : index
        %parallel_loop3A_324 = tpu.vector_load %arg10[%parallel_loop3A_321, %parallel_loop3A_322, %parallel_loop3A_323] {strides = array<i32>} : memref<2x200x64xf32, #tpu.memory_space<vmem>>, vector<16xf32>,
        tpu.vector_store %arg10[%parallel_loop3A_321, %parallel_loop3A_322, %parallel_loop3A_323], %parallel_loop3A_319 {strides = array<i32>} : memref<2x200x64xf32, #tpu.memory_space<vmem>>, vector<16xf32>,
        %parallel_loop3A_325 = vector.broadcast %parallel_loop3A_312 : f32 to vector<16xf32>
        %parallel_loop3A_326 = arith.mulf %parallel_loop3A_239, %parallel_loop3A_325 : vector<16xf32>
        %parallel_loop3A_327 = vector.broadcast %parallel_loop3A_313 : f32 to vector<16xf32>
        %parallel_loop3A_328 = arith.subf %parallel_loop3A_326, %parallel_loop3A_327 : vector<16xf32>
        %parallel_loop3A_329 = arith.mulf %parallel_loop3A_328, %get3A_5 : vector<16xf32>
        %parallel_loop3A_330 = arith.addf %parallel_loop3A_329, %get3A_13 : vector<16xf32>
        %parallel_loop3A_331 = arith.constant 1 : i32
        %parallel_loop3A_332 = arith.index_cast %parallel_loop3A_331 : i32 to index
        %parallel_loop3A_333 = arith.index_cast %parallel_loop3A_215 : i32 to index
        %parallel_loop3A_334 = arith.constant 16 : index
        %parallel_loop3A_335 = tpu.vector_load %arg10[%parallel_loop3A_332, %parallel_loop3A_333, %parallel_loop3A_334] {strides = array<i32>} : memref<2x200x64xf32, #tpu.memory_space<vmem>>, vector<16xf32>,
        tpu.vector_store %arg10[%parallel_loop3A_332, %parallel_loop3A_333, %parallel_loop3A_334], %parallel_loop3A_330 {strides = array<i32>} : memref<2x200x64xf32, #tpu.memory_space<vmem>>, vector<16xf32>,
        %parallel_loop3A_336 = vector.broadcast %parallel_loop3A_312 : f32 to vector<16xf32>
        %parallel_loop3A_337 = arith.mulf %parallel_loop3A_251, %parallel_loop3A_336 : vector<16xf32>
        %parallel_loop3A_338 = vector.broadcast %parallel_loop3A_313 : f32 to vector<16xf32>
        %parallel_loop3A_339 = arith.subf %parallel_loop3A_337, %parallel_loop3A_338 : vector<16xf32>
        %parallel_loop3A_340 = arith.mulf %parallel_loop3A_339, %get3A_7 : vector<16xf32>
        %parallel_loop3A_341 = arith.addf %parallel_loop3A_340, %get3A_15 : vector<16xf32>
        %parallel_loop3A_342 = arith.constant 1 : i32
        %parallel_loop3A_343 = arith.index_cast %parallel_loop3A_342 : i32 to index
        %parallel_loop3A_344 = arith.index_cast %parallel_loop3A_215 : i32 to index
        %parallel_loop3A_345 = arith.constant 32 : index
        %parallel_loop3A_346 = tpu.vector_load %arg10[%parallel_loop3A_343, %parallel_loop3A_344, %parallel_loop3A_345] {strides = array<i32>} : memref<2x200x64xf32, #tpu.memory_space<vmem>>, vector<16xf32>,
        tpu.vector_store %arg10[%parallel_loop3A_343, %parallel_loop3A_344, %parallel_loop3A_345], %parallel_loop3A_341 {strides = array<i32>} : memref<2x200x64xf32, #tpu.memory_space<vmem>>, vector<16xf32>,
        %parallel_loop3A_347 = vector.broadcast %parallel_loop3A_312 : f32 to vector<16xf32>
        %parallel_loop3A_348 = arith.mulf %parallel_loop3A_263, %parallel_loop3A_347 : vector<16xf32>
        %parallel_loop3A_349 = vector.broadcast %parallel_loop3A_313 : f32 to vector<16xf32>
        %parallel_loop3A_350 = arith.subf %parallel_loop3A_348, %parallel_loop3A_349 : vector<16xf32>
        %parallel_loop3A_351 = arith.mulf %parallel_loop3A_350, %get3A_9 : vector<16xf32>
        %parallel_loop3A_352 = arith.addf %parallel_loop3A_351, %get3A_17 : vector<16xf32>
        %parallel_loop3A_353 = arith.constant 1 : i32
        %parallel_loop3A_354 = arith.index_cast %parallel_loop3A_353 : i32 to index
        %parallel_loop3A_355 = arith.index_cast %parallel_loop3A_215 : i32 to index
        %parallel_loop3A_356 = arith.constant 48 : index
        %parallel_loop3A_357 = tpu.vector_load %arg10[%parallel_loop3A_354, %parallel_loop3A_355, %parallel_loop3A_356] {strides = array<i32>} : memref<2x200x64xf32, #tpu.memory_space<vmem>>, vector<16xf32>,
        tpu.vector_store %arg10[%parallel_loop3A_354, %parallel_loop3A_355, %parallel_loop3A_356], %parallel_loop3A_352 {strides = array<i32>} : memref<2x200x64xf32, #tpu.memory_space<vmem>>, vector<16xf32>,
      } {sc.loop_unroll_factor = 2 : i64, sc.parallel_access}
      %dma_start3A_197 = arith.constant 1 : i32
      %dma_start3A_198 = arith.constant 0 : i32
      %dma_start3A_199 = arith.constant 0 : i32
      %dma_start3A_200 = tpu.memref_slice %arg10[%dma_start3A_197, %dma_start3A_198, %dma_start3A_199] : memref<2x200x64xf32, #tpu.memory_space<vmem>> -> memref<1x200x64xf32, #tpu.memory_space<vmem>>
      %dma_start3A_201 = tpu.memref_squeeze %dma_start3A_200 : memref<1x200x64xf32, #tpu.memory_space<vmem>> -> memref<200x64xf32, #tpu.memory_space<vmem>>
      %dma_start3A_202 = arith.constant 0 : i32
      %dma_start3A_203 = arith.constant 0 : i32
      %dma_start3A_204 = tpu.memref_slice %arg7[%add3A_188, %dma_start3A_202, %dma_start3A_203] : memref<4096x200x64xf32, #tpu.memory_space<hbm>> -> memref<1x200x64xf32, #tpu.memory_space<hbm>>
      %dma_start3A_205 = tpu.memref_squeeze %dma_start3A_204 : memref<1x200x64xf32, #tpu.memory_space<hbm>> -> memref<200x64xf32, #tpu.memory_space<hbm>>
      %dma_start3A_206 = arith.constant 0 : i32
      %dma_start3A_207 = arith.constant 0 : i32
      %dma_start3A_208 = tpu.memref_slice %arg7[%add3A_188, %dma_start3A_206, %dma_start3A_207] : memref<4096x200x64xf32, #tpu.memory_space<hbm>> -> memref<1x200x64xf32, #tpu.memory_space<hbm>>
      %dma_start3A_209 = tpu.memref_squeeze %dma_start3A_208 : memref<1x200x64xf32, #tpu.memory_space<hbm>> -> memref<200x64xf32, #tpu.memory_space<hbm>>
      %dma_start3A_210 = arith.constant 0 : i32
      %dma_start3A_211 = arith.constant 0 : i32
      %dma_start3A_212 = tpu.memref_slice %arg10[%dma_start3A_197, %dma_start3A_210, %dma_start3A_211] : memref<2x200x64xf32, #tpu.memory_space<vmem>> -> memref<1x200x64xf32, #tpu.memory_space<vmem>>
      %dma_start3A_213 = tpu.memref_squeeze %dma_start3A_212 : memref<1x200x64xf32, #tpu.memory_space<vmem>> -> memref<200x64xf32, #tpu.memory_space<vmem>>
      tpu.enqueue_dma source(%dma_start3A_213 : memref<200x64xf32, #tpu.memory_space<vmem>>) target(%dma_start3A_209 : memref<200x64xf32, #tpu.memory_space<hbm>>) target_semaphore(%arg17 : memref<!tpu.dma_semaphore, #tpu.memory_space<semaphore_mem>>)
      %scan3A_214 = arith.constant 0 : i32
      scf.yield %scan3A_214 : i32
    }
    %scan3A_46 = arith.constant 64 : i32
    %add3A_47 = arith.constant 0 : i32
    %add3A_48 = arith.addi %mul3A_2, %add3A_47 : i32
    %dma_wait3A = arith.constant 0 : i32
    %dma_wait3A_49 = arith.constant 0 : i32
    %dma_wait3A_50 = arith.constant 0 : i32
    %dma_wait3A_51 = tpu.memref_slice %arg10[%dma_wait3A, %dma_wait3A_49, %dma_wait3A_50] : memref<2x200x64xf32, #tpu.memory_space<vmem>> -> memref<1x200x64xf32, #tpu.memory_space<vmem>>
    %dma_wait3A_52 = tpu.memref_squeeze %dma_wait3A_51 : memref<1x200x64xf32, #tpu.memory_space<vmem>> -> memref<200x64xf32, #tpu.memory_space<vmem>>
    %dma_wait3A_53 = arith.constant 0 : i32
    %dma_wait3A_54 = arith.constant 0 : i32
    %dma_wait3A_55 = tpu.memref_slice %arg7[%add3A_48, %dma_wait3A_53, %dma_wait3A_54] : memref<4096x200x64xf32, #tpu.memory_space<hbm>> -> memref<1x200x64xf32, #tpu.memory_space<hbm>>
    %dma_wait3A_56 = tpu.memref_squeeze %dma_wait3A_55 : memref<1x200x64xf32, #tpu.memory_space<hbm>> -> memref<200x64xf32, #tpu.memory_space<hbm>>
    %dma_wait3A_57 = arith.constant 0 : i32
    %dma_wait3A_58 = arith.constant 0 : i32
    %dma_wait3A_59 = tpu.memref_slice %arg7[%add3A_48, %dma_wait3A_57, %dma_wait3A_58] : memref<4096x200x64xf32, #tpu.memory_space<hbm>> -> memref<1x200x64xf32, #tpu.memory_space<hbm>>
    %dma_wait3A_60 = tpu.memref_squeeze %dma_wait3A_59 : memref<1x200x64xf32, #tpu.memory_space<hbm>> -> memref<200x64xf32, #tpu.memory_space<hbm>>
    %dma_wait3A_61 = arith.constant 0 : i32
    %dma_wait3A_62 = arith.constant 0 : i32
    %dma_wait3A_63 = tpu.memref_slice %arg10[%dma_wait3A, %dma_wait3A_61, %dma_wait3A_62] : memref<2x200x64xf32, #tpu.memory_space<vmem>> -> memref<1x200x64xf32, #tpu.memory_space<vmem>>
    %dma_wait3A_64 = tpu.memref_squeeze %dma_wait3A_63 : memref<1x200x64xf32, #tpu.memory_space<vmem>> -> memref<200x64xf32, #tpu.memory_space<vmem>>
    tpu.wait_dma2 semaphore(%arg16 : memref<!tpu.dma_semaphore, #tpu.memory_space<semaphore_mem>>) src(%dma_wait3A_64 : memref<200x64xf32, #tpu.memory_space<vmem>>) dst(%dma_wait3A_60 : memref<200x64xf32, #tpu.memory_space<hbm>>)
    %add3A_65 = arith.constant 1 : i32
    %add3A_66 = arith.addi %mul3A_2, %add3A_65 : i32
    %dma_wait3A_67 = arith.constant 1 : i32
    %dma_wait3A_68 = arith.constant 0 : i32
    %dma_wait3A_69 = arith.constant 0 : i32
    %dma_wait3A_70 = tpu.memref_slice %arg10[%dma_wait3A_67, %dma_wait3A_68, %dma_wait3A_69] : memref<2x200x64xf32, #tpu.memory_space<vmem>> -> memref<1x200x64xf32, #tpu.memory_space<vmem>>
    %dma_wait3A_71 = tpu.memref_squeeze %dma_wait3A_70 : memref<1x200x64xf32, #tpu.memory_space<vmem>> -> memref<200x64xf32, #tpu.memory_space<vmem>>
    %dma_wait3A_72 = arith.constant 0 : i32
    %dma_wait3A_73 = arith.constant 0 : i32
    %dma_wait3A_74 = tpu.memref_slice %arg7[%add3A_66, %dma_wait3A_72, %dma_wait3A_73] : memref<4096x200x64xf32, #tpu.memory_space<hbm>> -> memref<1x200x64xf32, #tpu.memory_space<hbm>>
    %dma_wait3A_75 = tpu.memref_squeeze %dma_wait3A_74 : memref<1x200x64xf32, #tpu.memory_space<hbm>> -> memref<200x64xf32, #tpu.memory_space<hbm>>
    %dma_wait3A_76 = arith.constant 0 : i32
    %dma_wait3A_77 = arith.constant 0 : i32
    %dma_wait3A_78 = tpu.memref_slice %arg7[%add3A_66, %dma_wait3A_76, %dma_wait3A_77] : memref<4096x200x64xf32, #tpu.memory_space<hbm>> -> memref<1x200x64xf32, #tpu.memory_space<hbm>>
    %dma_wait3A_79 = tpu.memref_squeeze %dma_wait3A_78 : memref<1x200x64xf32, #tpu.memory_space<hbm>> -> memref<200x64xf32, #tpu.memory_space<hbm>>
    %dma_wait3A_80 = arith.constant 0 : i32
    %dma_wait3A_81 = arith.constant 0 : i32
    %dma_wait3A_82 = tpu.memref_slice %arg10[%dma_wait3A_67, %dma_wait3A_80, %dma_wait3A_81] : memref<2x200x64xf32, #tpu.memory_space<vmem>> -> memref<1x200x64xf32, #tpu.memory_space<vmem>>
    %dma_wait3A_83 = tpu.memref_squeeze %dma_wait3A_82 : memref<1x200x64xf32, #tpu.memory_space<vmem>> -> memref<200x64xf32, #tpu.memory_space<vmem>>
    tpu.wait_dma2 semaphore(%arg17 : memref<!tpu.dma_semaphore, #tpu.memory_space<semaphore_mem>>) src(%dma_wait3A_83 : memref<200x64xf32, #tpu.memory_space<vmem>>) dst(%dma_wait3A_79 : memref<200x64xf32, #tpu.memory_space<hbm>>)
    return
  }
}

</mosaic_0001>

<sc_bundles>
// kernel: kernel.3.cloned.1.call-start
scs
__scs_entry_jumppad:
0x0: {  	(pc) =	sbr.rel $0x88, $3  }
0x1: {  	(tag) =	ssettag $0x0;
	lr =	simm.s32 $0x1  }
0x2: {  	[smem:$0x3F9C] =	sst lr;
	_ =	strace $0xD0000000  }
0x3: {  	_ = 	snop  }
0x4: {  	_ = 	snop  }
0x5: {  	_ = 	snop  }
0x6: {  	_ = 	snop  }
0x7: {  	_ = 	snop  }
__scs_overlays_trampoline_lowered:
0x8: {  	[smem:$0x3FAB] =	sst s0  }
0x9: {  	[smem:$0x3FAC] =	sst s1  }
0xa: {  	[smem:$0x3FAD] =	sst s2  }
0xb: {  	[smem:$0x3FAE] =	sst s3  }
0xc: {  	[smem:$0x3FAF] =	sst s4  }
0xd: {  	[smem:$0x3FB0] =	sst s5  }
0xe: {  	[smem:$0x3FB1] =	sst s6  }
0xf: {  	[smem:$0x3FB2] =	sst s7  }
0x10: {  	[smem:$0x3FB3] =	sst s8  }
0x11: {  	[smem:$0x3FB4] =	sst s9;
	s0 =	simm.s32 @!p0 $0x0  }
0x12: {  	s1 =	sld [smem:$0x3F9A];
	s0 =	simm.s32 @p0 $0x1  }
0x13: {  	[smem:$0x3FB5] =	sst s0;
	s0 =	simm.s32 @!p1 $0x0  }
0x14: {  	s2 =	sld [smem:$0x3F99];
	s0 =	simm.s32 @p1 $0x1  }
0x15: {  	[smem:$0x3FB6] =	sst s0;
	s0 =	simm.s32 @!p2 $0x0  }
0x16: {  	s3 =	sld [smem:$0x3FDB];
	s0 =	simm.s32 @p2 $0x1  }
0x17: {  	s4 =	simm.s32 $0x1BF5;
	[smem:$0x3FB8] =	sst s0  }
0x18: {  	s0 =	sld [smem:$0x3F9B];
	_ =	swait.ge [sflag:s4], $0x0  }
0x19: {  	s7 =	sld [smem:$0x3F9C]  }
0x1a: {  	s8 =	sadd.s32 $0xFFFFE003, lr  }
0x1b: {  	s9 =	sadd.s32 $0xFFFFFEF7, lr;
	s5 =	simm.s32 $0xFFFFFFFF;
	p2 =	slt.u32 s8, $0xFFFFF086  }
0x1c: {  	p1 =	slt.u32 s9, $0xF7A;
	s5 =	simm.s32 @!p2 $0x0  }
0x1d: {  	s5 =	simm.s32 @p1 $0x1;
	p0 =	seq.s32 s7, s2  }
0x1e: {  	s7 =	smul.u32 @!p0 $0xF7A, s2;
	p2 =	seq.s32 @!p0 s5, $0x0  }
0x1f: {  	s9 =	smul.u32 $0xF7A, s1;
	s8 =	simm.s32 @!p0 $0x1BF5;
	p2 =	por !p2, p0  }
0x20: {  	[sflag:s8] =	ssyncset.s32 @!p0 $0xFFFFF086;
	s6 =	sadd.s32 @!p0 s3, s7;
	s7 =	simm.s32 @!p0 $0x108  }
0x21: {  	s3 =	sadd.s32 s3, s9;
	s6 =	sadd.s32 @!p0 $0x88, s6;
	s7 =	simm.s32 @p2 $0x1082  }
0x22: {  	[simem:s7], [sflag:s8] =	dma.local @!p0 [hbm:s6], $0xF7A  }
0x23: {  	s9 =	sor.u32 $0xD0000000, s2;
	s6 =	simm.s32 $0x108;
	_ =	swait.ge @!p0 [sflag:s8], $0x0  }
0x24: {  	s3 =	sadd.s32 $0x88, s3;
	s6 =	simm.s32 @!p1 $0x1082;
	[sflag:s4] =	ssyncset.s32 $0xFFFFF086  }
0x25: {  	[simem:s6], [sflag:s4] =	dma.local [hbm:s3], $0xF7A  }
0x26: {  	[smem:$0x3F9C] =	sst s1;
	(tag) =	ssettag s2;
	_ =	strace s9  }
0x27: {  	s1 =	sld [smem:$0x3FAC]  }
0x28: {  	s2 =	sld [smem:$0x3FAD]  }
0x29: {  	s4 =	sld [smem:$0x3FAF]  }
0x2a: {  	p0 =	seq.s32 s5, $0x0;
	s5 =	sld [smem:$0x3FB0]  }
0x2b: {  	s6 =	sld [smem:$0x3FB1]  }
0x2c: {  	s7 =	sld [smem:$0x3FB2]  }
0x2d: {  	s3 =	simm.s32 $0x108;
	s8 =	sld [smem:$0x3FB3]  }
0x2e: {  	s3 =	simm.s32 @!p0 $0x1082;
	s9 =	sld [smem:$0x3FB4]  }
0x2f: {  	lr =	sadd.s32 s0, s3;
	s0 =	sld [smem:$0x3FAB]  }
0x30: {  	s3 =	sld [smem:$0x3FAE]  }
0x31: {  	[smem:$0x3FB7] =	sst s10  }
0x32: {  	s10 =	sld [smem:$0x3FB5];
	_ =	sdelay $0x3  }
0x33: {  	p0 =	seq.s32 s10, $0x1;
	s10 =	sld [smem:$0x3FB7];
	_ =	sdelay $0x3  }
0x34: {  	[smem:$0x3FB7] =	sst s10  }
0x35: {  	s10 =	sld [smem:$0x3FB6];
	_ =	sdelay $0x3  }
0x36: {  	p1 =	seq.s32 s10, $0x1;
	s10 =	sld [smem:$0x3FB7];
	_ =	sdelay $0x3  }
0x37: {  	[smem:$0x3FB7] =	sst s10  }
0x38: {  	s10 =	sld [smem:$0x3FB8]  }
0x39: {  	_ = 	snop;
	(pc) =	sbr.ind lr, $3  }
0x3a: {  	_ = 	snop  }
0x3b: {  	_ = 	snop  }
0x3c: {  	p2 =	seq.s32 s10, $0x1;
	s10 =	sld [smem:$0x3FB7]  }
0x3d: {  	_ =	shalt  }
0x3e: {  	_ =	shalt  }
0x3f: {  	_ =	shalt  }
0x40: {  	_ =	shalt  }
0x41: {  	_ =	shalt  }
0x42: {  	_ =	shalt  }
0x43: {  	_ =	shalt  }
0x44: {  	_ =	shalt  }
0x45: {  	_ =	shalt  }
0x46: {  	_ =	shalt  }
0x47: {  	_ =	shalt  }
0x48: {  	_ =	shalt  }
0x49: {  	_ =	shalt  }
0x4a: {  	_ =	shalt  }
0x4b: {  	_ =	shalt  }
0x4c: {  	_ =	shalt  }
0x4d: {  	_ =	shalt  }
0x4e: {  	_ =	shalt  }
0x4f: {  	_ =	shalt  }
0x50: {  	_ =	shalt  }
0x51: {  	_ =	shalt  }
0x52: {  	_ =	shalt  }
0x53: {  	_ =	shalt  }
0x54: {  	_ =	shalt  }
0x55: {  	_ =	shalt  }
0x56: {  	_ =	shalt  }
0x57: {  	_ =	shalt  }
0x58: {  	_ =	shalt  }
0x59: {  	_ =	shalt  }
0x5a: {  	_ =	shalt  }
0x5b: {  	_ =	shalt  }
0x5c: {  	_ =	shalt  }
0x5d: {  	_ =	shalt  }
0x5e: {  	_ =	shalt  }
0x5f: {  	_ =	shalt  }
0x60: {  	_ =	shalt  }
0x61: {  	_ =	shalt  }
0x62: {  	_ =	shalt  }
0x63: {  	_ =	shalt  }
0x64: {  	_ =	shalt  }
0x65: {  	_ =	shalt  }
0x66: {  	_ =	shalt  }
0x67: {  	_ =	shalt  }
0x68: {  	_ =	shalt  }
0x69: {  	_ =	shalt  }
0x6a: {  	_ =	shalt  }
0x6b: {  	_ =	shalt  }
0x6c: {  	_ =	shalt  }
0x6d: {  	_ =	shalt  }
0x6e: {  	_ =	shalt  }
0x6f: {  	_ =	shalt  }
0x70: {  	_ =	shalt  }
0x71: {  	_ =	shalt  }
0x72: {  	_ =	shalt  }
0x73: {  	_ =	shalt  }
0x74: {  	_ =	shalt  }
0x75: {  	_ =	shalt  }
0x76: {  	_ =	shalt  }
0x77: {  	_ =	shalt  }
0x78: {  	_ =	shalt  }
0x79: {  	_ =	shalt  }
0x7a: {  	_ =	shalt  }
0x7b: {  	_ =	shalt  }
0x7c: {  	_ =	shalt  }
0x7d: {  	_ =	shalt  }
0x7e: {  	_ =	shalt  }
0x7f: {  	_ =	shalt  }
0x80: {  	_ =	shalt  }
0x81: {  	_ =	shalt  }
0x82: {  	_ =	shalt  }
0x83: {  	_ =	shalt  }
0x84: {  	_ =	shalt  }
0x85: {  	_ =	shalt  }
0x86: {  	_ =	shalt  }
0x87: {  	_ =	shalt  }
.Lfunc_end0:
.L_simem_size_0:
called_computation.1_lowered:
.L_overlay_start_0:
0x88: {  	s2 =	sld [smem:$0x3FD9]  }
0x89: {  	s3 =	sld [smem:$0x3FFE];
	_ =	sdelay $0x1  }
0x8a: {  	s1 =	srdreg.scid  }
0x8b: {  	s0 =	sand.u32 $0x1, s1  }
0x8c: {  	s17 =	sshll.u32 s0, $0xA;
	s2 =	sadd.s32 s3, s2  }
0x8d: {  	s2 =	sadd.s32 s2, s17  }
0x8e: {  	[smem:$0x3FC3] =	sst s2  }
0x8f: {  	_ = 	snop  }
0x90: {  	s2 =	sld [smem:$0x3FC6]  }
0x91: {  	s18 =	sld [smem:$0x3FC5]  }
0x92: {  	s4 =	sld [smem:$0x3FD0];
	(tm) =	ssettm $0x1  }
0x93: {  	s5 =	sld [smem:$0x3FFB];
	_ =	sdelay $0x3  }
0x94: {  	_ =	strace s5  }
0x95: {  	s5 =	sld [smem:$0x3FFC];
	_ =	sdelay $0x3  }
0x96: {  	_ =	strace s5  }
0x97: {  	s5 =	sld [smem:$0x3FFD];
	_ =	sdelay $0x3  }
0x98: {  	_ =	strace s5  }
0x99: {  	_ =	strace $0x8FFFFFFF  }
0x9a: {  	s19 =	sld [smem:$0x3FDB];
	_ =	sdelay $0x1  }
0x9b: {  	s6 =	simm.s32 $_scs_section_size  }
0x9c: {  	s7 =	simm.s32 $_size__tile_overlayer_lowered;
	s8 =	simm.s32 $_tile_overlayer_lowered  }
0x9d: {  	s22 =	simm.s32 $0x1BFF;
	s21 =	sshll.u32 s8, $0x1;
	s5 =	sadd.s32 s6, s19  }
0x9e: {  	s9 =	simm.s32 $0x0;
	s20 =	sshll.u32 s7, $0x1;
	s7 =	sadd.s32 s21, s5  }
0x9f: {  	[timem:s9], [sflag:s22] =	dma.local [hbm:s7], s20  }
0xa0: {  	_ =	swait.ge [sflag:s22], s20  }
0xa1: {  	s6 =	ssub.s32 $0x0, s20;
	[sflag:s22] =	ssyncset.done $0x0  }
0xa2: {  	[sflag:s22] =	ssyncadd.s32 s6;
	_ =	sdelay $0x1  }
0xa3: {  	s23 =	simm.s32 $0x1B8B  }
0xa4: {  	_ =	swait.ge [sflag:s23], $0x1  }
0xa5: {  	[sflag:s23] =	ssyncset.done $0x0  }
0xa6: {  	s25 =	simm.s32 $0x1B8E;
	s24 =	sld [smem:$0x3FFE];
	[sflag:s23] =	ssyncadd.s32 $0xFFFFFFFF  }
0xa7: {  	s26 =	simm.s32 $execute0_lowered;
	[smem:$0x3FD2] =	sst s25  }
0xa8: {  	s7 =	sshll.u32 s26, $0x1;
	_ =	strace $0x80000046;
	[dreg:$0x1] =	wrdreg $0xFFFFFFFF  }
0xa9: {  	s28 =	simm.s32 $_size_execute0_lowered;
	s5 =	sadd.s32 s5, s7;
	[dreg:$0x0] =	wrdreg $0x0  }
0xaa: {  	s7 =	sshll.u32 s28, $0x1;
	[dreg:$0x2] =	wrdreg s5  }
0xab: {  	[dreg:$0x3] =	wrdreg s7  }
0xac: {  	[dreg:$0x4] =	wrdreg $0xC0  }
0xad: {  	_ =	task [dreg:s9], $0x5FFFF  }
0xae: {  	[dreg:$0x1] =	wrdreg $0xFFFFFFFF  }
0xaf: {  	[dreg:$0x0] =	wrdreg $0x60  }
0xb0: {  	[dreg:$0x2] =	wrdreg s24  }
0xb1: {  	[dreg:$0x3] =	wrdreg s2  }
0xb2: {  	[dreg:$0x4] =	wrdreg s18  }
0xb3: {  	[dreg:$0x5] =	wrdreg s4  }
0xb4: {  	[dreg:$0x6] =	wrdreg $0x9  }
0xb5: {  	_ =	task.clear_ibuf [dreg:s9], $0x7FFFF;
	_ =	strace $0x90000046  }
0xb6: {  	s29 =	simm.s32 $0x9;
	_ =	strace $0x80000048  }
0xb7: {  	_ =	swait.ge [sflag:s29], $0x1  }
0xb8: {  	[sflag:s29] =	ssyncadd.s32 $0xFFFFFFFF  }
0xb9: {  	_ =	strace $0x90000048  }
0xba: {  	_ =	sfence  }
0xbb: {  	s30 =	sld [smem:$0x0];
	_ =	sdelay $0x2  }
0xbc: {  	s31 =	sshll.u32 s1, $0xD;
	s1 =	sshrl.u32 s1, $0x2  }
0xbd: {  	s3 =	sand.u32 $0x4000, s31;
	s1 =	sadd.s32 s1, s30  }
0xbe: {  	s0 =	sor.u32 s3, s0;
	s1 =	sshll.u32 s1, $0x11  }
0xbf: {  	s0 =	sor.u32 s1, s0  }
0xc0: {  	s0 =	sadd.s32 $0x8F2B, s0  }
0xc1: {  	[sflag:s0] =	ssyncadd.remote.s32 $0x1  }
0xc2: {  	_ =	sfence.sel $0xFFFF  }
0xc3: {  	[dreg:$0x0] =	wrdreg $0xFFFFFFFF;
	(pc) =	sbr.abs _section_cstart, $3  }
0xc4: {  	[dreg:$0x1] =	wrdreg $0xFFFFFFFF  }
0xc5: {  	_ =	task.clear_ibuf [dreg:s9], $0x2FFFF;
	_ =	strace $0x9FFFFFFF  }
0xc6: {  	(tm) =	ssettm $0x7FFFFFFF  }
0xc7: {  	_ =	shalt  }
tec
execute0_lowered:
.L_overlay_start_1:
0x0: {  	(tag) =	ssettag $0x1  }
0x1: {  	s0 =	rddreg [dreg:$0x0];
	s1 =	srdreg.scid  }
0x2: {  	s2 =	stileid.u32;
	s4 =	rddreg [dreg:$0x3];
	s1 =	sand.u32 $0x1, s1  }
0x3: {  	s5 =	simm.s32 $0x0;
	s2 =	sshll.u32 s2, $0x8;
	s3 =	sshll.u32 s1, $0x7  }
0x4: {  	s15 =	simm.s32 $0x68;
	s17 =	simm.s32 $0x60;
	s6 =	sor.u32 s3, s2  }
0x5: {  	s21 =	simm.s32 $0x1;
	[smem:$0x7FF] =	sst s5;
	s2 =	smul.u32 $0x19, s6  }
0x6: {  	s7 =	sadd.s32 $0x1A000, s0;
	_ =	strace $0x80000047;
	s1 =	ssub.s32 $0x2, s1  }
0x7: {  	s29 =	sshrl.u32 s1, $0x1;
	s2 =	sadd.s32 s2, s0;
	s0 =	sadd.s32 $0x800, s0  }
0x8: {  	s30 =	ssub.s32 s1, s29;
	[dreg:$0x5] =	wrdreg s0;
	s31 =	sadd.s32 $0x1000, s2  }
0x9: {  	s23 =	simm.s32 $0x2;
	s0 =	smax.u32 s30, $0x1;
	[dreg:$0x6] =	wrdreg s31  }
0xa: {  	s24 =	simm.s32 $0xFA00;
	s2 =	simm.s32 $0x0;
	[dreg:$0x7] =	wrdreg s0  }
.LBB2_1:
0xb: {  	[dreg:$0x8] =	wrdreg s2  }
0xc: {  	s0 =	rddreg [dreg:$0x6];
	s1 =	simm.s32 $0x5  }
0xd: {  	[tilespmem:s5], [sflag:$0x5] =	stream.linear.gather [hbm4b:s0+s5], $0x6400, $0x38;
	[tilespmem:$0x15E80] =	vst v63  }
0xe: {  	_ =	swait.ge [sflag:s1], $0x6400  }
0xf: {  	[sflag:s1] =	ssyncset.done $0x0  }
0x10: {  	s20 =	simm.s32 $0x12C00;
	s19 =	rddreg [dreg:$0x5];
	[sflag:s1] =	ssyncadd.s32 $0xFFFF9C00  }
0x11: {  	[tilespmem:s20], [sflag:$0x5] =	stream.linear.gather [hbm4b:s19+s5], $0x3200, $0x38;
	[tilespmem:$0x15E80] =	vst v63  }
0x12: {  	_ =	swait.ge [sflag:s1], $0x3200  }
0x13: {  	[sflag:s1] =	ssyncset.done $0x0  }
0x14: {  	[sflag:s1] =	ssyncadd.s32 $0xFFFFCE00  }
0x15: {  	s25 =	simm.s32 $0x15E00;
	s22 =	rddreg [dreg:$0x1]  }
0x16: {  	[tilespmem:s25], [sflag:$0x5] =	stream.linear.gather [hbm4b:s22+s5], $0x40, $0x38;
	[tilespmem:$0x15E80] =	vst v63  }
0x17: {  	_ =	swait.ge [sflag:s1], $0x40  }
0x18: {  	[sflag:s1] =	ssyncset.done $0x0  }
0x19: {  	[sflag:s1] =	ssyncadd.s32 $0xFFFFFFC0  }
0x1a: {  	s28 =	simm.s32 $0x15E40;
	s26 =	rddreg [dreg:$0x2]  }
0x1b: {  	[tilespmem:s28], [sflag:$0x5] =	stream.linear.gather [hbm4b:s26+s5], $0x40, $0x38;
	[tilespmem:$0x15E80] =	vst v63  }
0x1c: {  	_ =	swait.ge [sflag:s1], $0x40  }
0x1d: {  	[sflag:s1] =	ssyncset.done $0x0  }
0x1e: {  	[sflag:s1] =	ssyncadd.s32 $0xFFFFFFC0  }
0x1f: {  	v0 =	vld [tilespmem:$0x15E00]  }
0x20: {  	v1 =	vld [tilespmem:$0x15E10]  }
0x21: {  	v2 =	vld [tilespmem:$0x15E20]  }
0x22: {  	v3 =	vld [tilespmem:$0x15E30]  }
0x23: {  	v4 =	vld [tilespmem:$0x15E40]  }
0x24: {  	v5 =	vld [tilespmem:$0x15E50]  }
0x25: {  	s30 =	simm.s32 $0x6400;
	v7 =	vld [tilespmem:$0x15E70]  }
0x26: {  	v6 =	vld [tilespmem:$0x15E60];
	[tilespmem:s30], [sflag:$0x1] =	stream.indirect.gather [hbm4b:s7+s15], $0x40, s5, s15, $0xb8  }
0x27: {  	s31 =	simm.s32 $0x7E00;
	s29 =	simm.s32 $0x0  }
0x28: {  	[tilespmem:s31], [sflag:$0x1] =	stream.indirect.gather [hbm4b:s7+s17], $0x40, s15, s17, $0xb8;
	[tilespmem:$0x15E80] =	vst v63  }
.LBB2_2:
0x29: {  	s30 =	sshllo.u32 s29, $0x1  }
0x2a: {  	s0 =	smul.u32 $0x320, s30;
	_ =	sdelay $0x1  }
0x2b: {  	s1 =	simm.s32 $0x9600;
	s0 =	sshra.s32 s0, $0x2  }
0x2c: {  	[tilespmem:s1], [sflag:$0x2] =	stream.indirect.gather [hbm4b:s7+s15], $0x40, s0, s15, $0xb8;
	[tilespmem:$0x15E80] =	vst v63  }
0x2d: {  	s8 =	simm.s32 $0xB000;
	s0 =	sadd.s32 $0x68, s0  }
0x2e: {  	[tilespmem:s8], [sflag:$0x2] =	stream.indirect.gather [hbm4b:s7+s17], $0x40, s0, s17, $0xb8;
	[tilespmem:$0x15E80] =	vst v63  }
0x2f: {  	_ =	swait.ge [sflag:s21], $0x1A00  }
0x30: {  	[sflag:s21] =	ssyncset.done $0x0  }
0x31: {  	[sflag:s21] =	ssyncadd.s32 $0xFFFFE600  }
0x32: {  	_ =	swait.ge [sflag:s21], $0x1800  }
0x33: {  	p0 =	seq.s32 s29, $0x0;
	[sflag:s21] =	ssyncset.done $0x0  }
0x34: {  	s0 =	simm.s32 @!p0 $0x3;
	[sflag:s21] =	ssyncadd.s32 $0xFFFFE800  }
0x35: {  	_ =	swait.ge @!p0 [sflag:s0], $0x3200  }
0x36: {  	[sflag:s0] =	ssyncset.done @!p0 $0x0  }
0x37: {  	s9 =	simm.s32 $0x12C40;
	[sflag:s0] =	ssyncadd.s32 @!p0 $0xFFFFCE00  }
0x38: {  	v8 =	vld [tilespmem:s9+$0x0]  }
0x39: {  	s10 =	simm.s32 $0x6440;
	v9 =	vld [tilespmem:s9+$0x10]  }
0x3a: {  	v10 =	vld [tilespmem:s10+$0x0]  }
0x3b: {  	v11 =	vld [tilespmem:s10+$0x10]  }
0x3c: {  	v12 =	vld [tilespmem:s10+$0x20]  }
0x3d: {  	v13 =	vld [tilespmem:s10+$0x30]  }
0x3e: {  	v14 =	vld [tilespmem:s9+$0x20]  }
0x3f: {  	v15 =	vld [tilespmem:s9+$0x30];
	_ =	sdelay $0x1  }
0x40: {  	v16 =	vld [tilespmem:s10+$0xFFFFFFD0];
	v10 =	vmul.f32 $8.000000000e+00, v10;
	v11 =	vmul.f32 $8.000000000e+00, v11  }
0x41: {  	v17 =	vld [tilespmem:s10+$0xFFFFFFE0];
	v12 =	vmul.f32 $8.000000000e+00, v12;
	v13 =	vmul.f32 $8.000000000e+00, v13  }
0x42: {  	v20 =	vld [tilespmem:s9+$0xFFFFFFE0];
	v23 =	vadd.f32 v8, v10;
	v22 =	vadd.f32 v9, v11  }
0x43: {  	v8 =	vld [tilespmem:s10+$0xFFFFFFF0];
	v21 =	vadd.f32 v14, v12;
	v24 =	vadd.f32 v15, v13  }
0x44: {  	v9 =	vld [tilespmem:s10+$0xFFFFFFC0];
	v10 =	vmul.f32 v23, v23;
	v11 =	vmul.f32 v22, v22  }
0x45: {  	v12 =	vld [tilespmem:s9+$0xFFFFFFC0];
	v13 =	vmul.f32 v21, v21;
	v14 =	vmul.f32 v24, v24  }
0x46: {  	v15 =	vld [tilespmem:s9+$0xFFFFFFD0];
	v18 =	vadd.f32 v22, v23;
	v19 =	vadd.f32 v24, v21  }
0x47: {  	v10 =	vadd.f32 v11, v10;
	v11 =	vadd.f32 v14, v13;
	v13 =	vld [tilespmem:s9+$0xFFFFFFF0]  }
0x48: {  	v14 =	vadd.f32 v19, v18  }
0x49: {  	v9 =	vmul.f32 $8.000000000e+00, v9;
	v10 =	vadd.f32 v11, v10;
	v11 =	vmul.f32 $8.000000000e+00, v16  }
0x4a: {  	v8 =	vmul.f32 $8.000000000e+00, v8;
	(xrf2) =	vadd.scan.msk.f32 $0xffff, v14;
	v14 =	vmul.f32 $8.000000000e+00, v17  }
0x4b: {  	v30 =	vadd.f32 v12, v9;
	(xrf2) =	vadd.scan.msk.f32 $0xffff, v10;
	v31 =	vadd.f32 v15, v11  }
0x4c: {  	v29 =	vadd.f32 v20, v14;
	v12 =	vadd.f32 v13, v8;
	_ =	sdelay $0x1  }
0x4d: {  	v8 =	vadd.f32 v31, v30;
	v9 =	vadd.f32 v12, v29  }
0x4e: {  	v10 =	vmul.f32 v30, v30;
	v11 =	vmul.f32 v31, v31  }
0x4f: {  	v13 =	vmul.f32 v29, v29;
	v14 =	vmul.f32 v12, v12;
	v8 =	vadd.f32 v9, v8  }
0x50: {  	s11 =	simm.s32 $0x12CC0  }
0x51: {  	v16 =	vld [tilespmem:s11+$0x30];
	v9 =	vadd.f32 v11, v10;
	v10 =	vadd.f32 v14, v13  }
0x52: {  	s12 =	simm.s32 $0x64C0;
	v11 =	vld [tilespmem:s11+$0x0];
	(xrf2) =	vadd.scan.msk.f32 $0xffff, v8  }
0x53: {  	v13 =	vld [tilespmem:s12+$0x0];
	v9 =	vadd.f32 v10, v9;
	v8, _, _ =	vpop (xrf2)  }
0x54: {  	v14 =	vld [tilespmem:s12+$0x30];
	(v2sf) =	vpush v8, $0xF;
	v8, _, _ =	vpop (xrf2)  }
0x55: {  	(xrf2) =	vadd.scan.msk.f32 $0xffff, v9;
	v9 =	vld [tilespmem:s12+$0x20];
	(v2sf) =	vpush v8, $0xF  }
0x56: {  	v8 =	vld [tilespmem:s12+$0x10]  }
0x57: {  	v15 =	vld [tilespmem:s11+$0x20]  }
0x58: {  	v10 =	vld [tilespmem:s11+$0x10]  }
0x59: {  	v26 =	vld [tilespmem:s11+$0xFFFFFFF0];
	v13 =	vmul.f32 $8.000000000e+00, v13  }
0x5a: {  	v19 =	vld [tilespmem:s12+$0xFFFFFFE0];
	v14 =	vmul.f32 $8.000000000e+00, v14;
	v9 =	vmul.f32 $8.000000000e+00, v9  }
0x5b: {  	v17 =	vld [tilespmem:s12+$0xFFFFFFD0];
	v34 =	vadd.f32 v11, v13;
	v8 =	vmul.f32 $8.000000000e+00, v8  }
0x5c: {  	v20 =	vld [tilespmem:s12+$0xFFFFFFC0];
	v35 =	vadd.f32 v16, v14;
	v18, _, _ =	vpop (xrf2);
	v32 =	vadd.f32 v15, v9  }
0x5d: {  	(v2sf) =	vpush v18, $0xF;
	v18 =	vld [tilespmem:s12+$0xFFFFFFF0];
	v33 =	vadd.f32 v10, v8  }
0x5e: {  	v11 =	vmul.f32 v34, v34;
	v15 =	vmul.f32 v35, v35;
	v8 =	vld [tilespmem:s11+$0xFFFFFFC0]  }
0x5f: {  	v10 =	vld [tilespmem:s11+$0xFFFFFFD0];
	v14 =	vmul.f32 v32, v32;
	v25 =	vadd.f32 v35, v32;
	v9, _, _ =	vpop (xrf2);
	v13 =	vmul.f32 v33, v33  }
0x60: {  	v16 =	vadd.f32 v33, v34;
	(v2sf) =	vpush v9, $0xF;
	v9 =	vld [tilespmem:s11+$0xFFFFFFE0]  }
0x61: {  	v11 =	vadd.f32 v13, v11;
	v13 =	vadd.f32 v15, v14  }
0x62: {  	v14 =	vmul.f32 $8.000000000e+00, v17;
	v15 =	vmul.f32 $8.000000000e+00, v20;
	v16 =	vadd.f32 v25, v16  }
0x63: {  	v17 =	vmul.f32 $8.000000000e+00, v19;
	v18 =	vmul.f32 $8.000000000e+00, v18;
	v13 =	vadd.f32 v13, v11;
	s13 =	spop (v2sf)  }
0x64: {  	v11 =	vadd.f32 v8, v15;
	v10 =	vadd.f32 v10, v14;
	(xrf2) =	vadd.scan.msk.f32 $0xffff, v16;
	s1 =	smul.f32 $1.562500000e-02, s13;
	s14 =	spop (v2sf)  }
0x65: {  	v8 =	vadd.f32 v26, v18;
	v9 =	vadd.f32 v9, v17;
	s0 =	smul.f32 $1.562500000e-02, s14  }
0x66: {  	(xrf2) =	vadd.scan.msk.f32 $0xffff, v13;
	v13 =	vadd.f32 v10, v11;
	s2 =	smul.f32 s1, s1  }
0x67: {  	v15 =	vmul.f32 v11, v11;
	v16 =	vmul.f32 v10, v10;
	v14 =	vadd.f32 v8, v9  }
0x68: {  	v18 =	vmul.f32 v8, v8;
	v17 =	vmul.f32 v9, v9;
	s0 =	ssub.f32 s0, s2  }
0x69: {  	v13 =	vadd.f32 v14, v13  }
0x6a: {  	v14 =	vadd.f32 v16, v15;
	v15 =	vadd.f32 v18, v17;
	s0 =	sadd.f32 $9.999999740e-06, s0;
	_ =	sdelay $0x1  }
0x6b: {  	s16 =	spop (v2sf);
	s3 =	sshrl.u32 s0, $0x1;
	s0 =	smul.f32 $5.000000000e-01, s0  }
0x6c: {  	(xrf2) =	vadd.scan.msk.f32 $0xffff, v13;
	s31 =	smul.f32 $1.562500000e-02, s16;
	s18 =	ssub.s32 $0x5F3759DF, s3  }
0x6d: {  	s19 =	simm.s32 $0x12D40;
	v13 =	vadd.f32 v15, v14;
	v15, _, _ =	vpop (xrf2);
	s8 =	smul.f32 s18, s0  }
0x6e: {  	v20 =	vld [tilespmem:s19+$0x20];
	(v2sf) =	vpush v15, $0xF;
	s9 =	smul.f32 s31, s31;
	s10 =	spop (v2sf)  }
0x6f: {  	v25 =	vld [tilespmem:s19+$0x30];
	v15, _, _ =	vpop (xrf2);
	s10 =	smul.f32 $1.562500000e-02, s10  }
0x70: {  	s11 =	simm.s32 $0x6540;
	v16 =	vld [tilespmem:s19+$0x10];
	(v2sf) =	vpush v15, $0xF;
	s8 =	smul.f32 s18, s8  }
0x71: {  	v17 =	vld [tilespmem:s11+$0x10];
	(xrf2) =	vadd.scan.msk.f32 $0xffff, v13;
	s9 =	ssub.f32 s10, s9  }
0x72: {  	v13 =	vld [tilespmem:s11+$0x0];
	s8 =	ssub.f32 $1.500000000e+00, s8  }
0x73: {  	v18 =	vld [tilespmem:s11+$0x30];
	s20 =	sadd.f32 $9.999999740e-06, s9  }
0x74: {  	v15 =	vld [tilespmem:s11+$0x20];
	s2 =	smul.f32 s18, s8  }
0x75: {  	v14 =	vld [tilespmem:s19+$0x0];
	s12 =	sshrl.u32 s20, $0x1;
	s9 =	smul.f32 $5.000000000e-01, s20  }
0x76: {  	v26 =	vld [tilespmem:s11+$0xFFFFFFD0];
	v19, _, _ =	vpop (xrf2);
	s22 =	smul.f32 s2, s0;
	s25 =	ssub.s32 $0x5F3759DF, s12  }
0x77: {  	v52 =	vld [tilespmem:s19+$0xFFFFFFF0];
	v13 =	vmul.f32 $8.000000000e+00, v13;
	(v2sf) =	vpush v19, $0xF;
	s12 =	smul.f32 s25, s9  }
0x78: {  	v27 =	vld [tilespmem:s11+$0xFFFFFFE0];
	v17 =	vmul.f32 $8.000000000e+00, v17;
	s10 =	smul.f32 s22, s2  }
0x79: {  	v37 =	vld [tilespmem:s11+$0xFFFFFFC0];
	v36 =	vmul.f32 $8.000000000e+00, v18;
	v15 =	vmul.f32 $8.000000000e+00, v15;
	s26 =	smul.f32 s25, s12  }
0x7a: {  	v28 =	vld [tilespmem:s11+$0xFFFFFFF0];
	v18 =	vadd.f32 v14, v13;
	v19 =	vadd.f32 v16, v17;
	s10 =	ssub.f32 $1.500000000e+00, s10  }
0x7b: {  	v14 =	vld [tilespmem:s19+$0xFFFFFFC0];
	v13, _, _ =	vpop (xrf2);
	v17 =	vadd.f32 v20, v15;
	v20 =	vadd.f32 v25, v36;
	v15 =	vmul.f32 $8.000000000e+00, v26;
	s11 =	ssub.f32 $1.500000000e+00, s26  }
0x7c: {  	v16 =	vld [tilespmem:s19+$0xFFFFFFD0];
	v25 =	vmul.f32 v18, v18;
	(v2sf) =	vpush v13, $0xF;
	v26 =	vmul.f32 v19, v19;
	s10 =	smul.f32 s10, s2  }
0x7d: {  	v13 =	vld [tilespmem:s19+$0xFFFFFFE0];
	v38 =	vmul.f32 v17, v17;
	v39 =	vmul.f32 v20, v20;
	s12 =	spop (v2sf);
	s8 =	smul.f32 s25, s11  }
0x7e: {  	v37 =	vmul.f32 $8.000000000e+00, v37;
	v40 =	vadd.f32 v19, v18;
	v41 =	vadd.f32 v20, v17;
	s2 =	smul.f32 $1.562500000e-02, s12  }
0x7f: {  	v27 =	vmul.f32 $8.000000000e+00, v27;
	v25 =	vadd.f32 v26, v25;
	v26 =	vadd.f32 v39, v38;
	s0 =	smul.f32 s10, s0;
	s13 =	spop (v2sf)  }
0x80: {  	v28 =	vmul.f32 $8.000000000e+00, v28;
	v14 =	vadd.f32 v14, v37;
	v53 =	vadd.f32 v41, v40;
	s3 =	smul.f32 $1.562500000e-02, s13  }
0x81: {  	v16 =	vadd.f32 v16, v15;
	v25 =	vadd.f32 v26, v25;
	s14 =	smul.f32 s2, s2  }
0x82: {  	v15 =	vadd.f32 v13, v27;
	v13 =	vadd.f32 v52, v28;
	s0 =	smul.f32 s0, s10  }
0x83: {  	(xrf2) =	vadd.scan.msk.f32 $0xffff, v53;
	s13 =	smul.f32 s8, s9;
	s16 =	ssub.f32 s3, s14  }
0x84: {  	(xrf2) =	vadd.scan.msk.f32 $0xffff, v25;
	v25 =	vadd.f32 v16, v14;
	v26 =	vadd.f32 v13, v15;
	s0 =	ssub.f32 $1.500000000e+00, s0  }
0x85: {  	v27 =	vmul.f32 v14, v14;
	v28 =	vmul.f32 v16, v16;
	s13 =	smul.f32 s13, s8;
	s19 =	sadd.f32 $9.999999740e-06, s16  }
0x86: {  	v36 =	vmul.f32 v13, v13;
	v25 =	vadd.f32 v26, v25;
	v26 =	vmul.f32 v15, v15;
	s12 =	smul.f32 s0, s10;
	s18 =	spop (v2sf)  }
0x87: {  	s13 =	ssub.f32 $1.500000000e+00, s13;
	s0 =	smul.f32 $1.562500000e-02, s18  }
0x88: {  	(xrf2) =	vadd.scan.msk.f32 $0xffff, v25;
	v25 =	vadd.f32 v28, v27;
	v26 =	vadd.f32 v36, v26;
	s10 =	smul.f32 $5.000000000e-01, s19  }
0x89: {  	s11 =	simm.s32 $0x12DC0;
	s20 =	sshrl.u32 s19, $0x1;
	s8 =	smul.f32 s13, s8  }
0x8a: {  	v57 =	vld [tilespmem:s11+$0x20];
	v25 =	vadd.f32 v26, v25;
	s16 =	ssub.s32 $0x5F3759DF, s20;
	s14 =	smul.f32 s0, s0  }
0x8b: {  	v59 =	vld [tilespmem:s11+$0x30];
	s3 =	simm.s32 $0x65C0;
	s19 =	spop (v2sf);
	s18 =	smul.f32 s16, s10  }
0x8c: {  	v55 =	vld [tilespmem:s3+$0x10];
	s19 =	smul.f32 $1.562500000e-02, s19  }
0x8d: {  	v26 =	vld [tilespmem:s3+$0x0];
	v54, _, _ =	vpop (xrf2);
	s18 =	smul.f32 s16, s18  }
0x8e: {  	v28 =	vld [tilespmem:s11+$0x10];
	(xrf2) =	vadd.scan.msk.f32 $0xffff, v25;
	s1 =	smul.f32 s12, s1;
	(v2sf) =	vpush v54, $0xF;
	v25, _, _ =	vpop (xrf2);
	s14 =	ssub.f32 s19, s14  }
0x8f: {  	v56 =	vld [tilespmem:s3+$0x20];
	v24 =	vmul.f32 s12, v24;
	v22 =	vmul.f32 s12, v22;
	(v2sf) =	vpush v25, $0xF;
	s22 =	ssub.f32 $1.500000000e+00, s18  }
0x90: {  	v27 =	vld [tilespmem:s11+$0x0];
	v23 =	vmul.f32 s12, v23;
	s9 =	smul.f32 s8, s9;
	v58 =	vmov s1;
	s14 =	sadd.f32 $9.999999740e-06, s14  }
0x91: {  	v25 =	vld [tilespmem:s3+$0x30];
	v60 =	vsub.f32 v24, v58;
	s1 =	smul.f32 s16, s22  }
0x92: {  	v42 =	vsub.f32 v23, v58;
	v23 =	vmul.f32 $8.000000000e+00, v26;
	v24 =	vmul.f32 $8.000000000e+00, v55;
	v26 =	vld [tilespmem:s3+$0xFFFFFFD0];
	s25 =	sshrl.u32 s14, $0x1;
	s13 =	smul.f32 $5.000000000e-01, s14  }
0x93: {  	v48 =	vld [tilespmem:s11+$0xFFFFFFC0];
	v61 =	vmul.f32 s12, v21;
	v43 =	vsub.f32 v22, v58;
	v22, _, _ =	vpop (xrf2);
	s26 =	ssub.s32 $0x5F3759DF, s25;
	s18 =	smul.f32 s1, s10  }
0x94: {  	v36 =	vmul.f32 $8.000000000e+00, v56;
	v21 =	vadd.f32 v28, v24;
	v28 =	vld [tilespmem:s3+$0xFFFFFFC0];
	(v2sf) =	vpush v22, $0xF;
	s19 =	smul.f32 s26, s13  }
0x95: {  	v46 =	vld [tilespmem:s11+$0xFFFFFFD0];
	v22 =	vadd.f32 v27, v23;
	s20 =	smul.f32 s18, s1  }
0x96: {  	v27 =	vld [tilespmem:s3+$0xFFFFFFF0];
	v23 =	vadd.f32 v57, v36;
	v25 =	vmul.f32 $8.000000000e+00, v25;
	s22 =	smul.f32 s26, s19  }
0x97: {  	v44 =	vld [tilespmem:s3+$0xFFFFFFE0];
	v45 =	vmul.f32 v21, v21;
	v26 =	vmul.f32 $8.000000000e+00, v26;
	v62 =	vadd.f32 v21, v22;
	s12 =	ssub.f32 $1.500000000e+00, s20  }
0x98: {  	v52 =	vld [tilespmem:s11+$0xFFFFFFE0];
	v50 =	vmul.f32 v22, v22;
	v24 =	vadd.f32 v59, v25;
	v25 =	vsub.f32 v61, v58;
	v63, _, _ =	vpop (xrf2);
	s18 =	smul.f32 s9, s8;
	s25 =	ssub.f32 $1.500000000e+00, s22  }
0x99: {  	v53 =	vld [tilespmem:s11+$0xFFFFFFF0];
	v51 =	vmul.f32 v23, v23;
	v28 =	vmul.f32 $8.000000000e+00, v28;
	(v2sf) =	vpush v63, $0xF;
	s1 =	smul.f32 s12, s1  }
0x9a: {  	v40 =	vadd.f32 v45, v50;
	v49 =	vadd.f32 v24, v23;
	v25 =	vmul.f32 v25, v2;
	s9 =	smul.f32 s26, s25  }
0x9b: {  	v47 =	vmul.f32 v24, v24;
	v55 =	vmul.f32 $8.000000000e+00, v27;
	v28 =	vadd.f32 v48, v28;
	s10 =	smul.f32 s1, s10  }
0x9c: {  	v36 =	vadd.f32 v49, v62;
	v54 =	vadd.f32 v25, v6;
	v25 =	vmul.f32 $8.000000000e+00, v44;
	s26 =	smul.f32 s9, s13  }
0x9d: {  	v27 =	vadd.f32 v46, v26;
	v37 =	vadd.f32 v47, v51;
	s19 =	spop (v2sf);
	s10 =	smul.f32 s10, s1  }
0x9e: {  	v41 =	vmul.f32 v60, v3;
	(xrf2) =	vadd.scan.msk.f32 $0xffff, v36;
	v26 =	vadd.f32 v52, v25;
	v25 =	vadd.f32 v53, v55;
	s14 =	smul.f32 $1.562500000e-02, s19;
	s20 =	spop (v2sf)  }
0x9f: {  	v38 =	vmul.f32 v28, v28;
	v56 =	vmul.f32 v27, v27;
	v37 =	vadd.f32 v37, v40;
	s12 =	smul.f32 $1.562500000e-02, s20;
	s10 =	ssub.f32 $1.500000000e+00, s10  }
0xa0: {  	v41 =	vadd.f32 v41, v7;
	v58 =	vmul.f32 v26, v26;
	v45 =	vmul.f32 v25, v25;
	s22 =	smul.f32 s14, s14  }
0xa1: {  	v42 =	vmul.f32 v42, v0;
	v57 =	vadd.f32 v27, v28;
	s25 =	ssub.f32 $1.500000000e+00, s18;
	v59 =	vadd.f32 v25, v26;
	(xrf2) =	vadd.scan.msk.f32 $0xffff, v37;
	s10 =	smul.f32 s10, s1  }
0xa2: {  	v43 =	vmul.f32 v43, v1;
	v38 =	vadd.f32 v56, v38;
	s11 =	smul.f32 s26, s9;
	v60 =	vadd.f32 v45, v58;
	s12 =	ssub.f32 s12, s22  }
0xa3: {  	v42 =	vadd.f32 v42, v4;
	s18 =	sshll.u32 s29, $0x1;
	v40 =	vadd.f32 v59, v57;
	s26 =	spop (v2sf);
	s20 =	smul.f32 s10, s2  }
0xa4: {  	v43 =	vadd.f32 v43, v5;
	v39 =	vadd.f32 v60, v38;
	s1 =	simm.s32 $0xC840;
	s16 =	smul.f32 $1.562500000e-02, s26;
	s12 =	sadd.f32 $9.999999740e-06, s12;
	v61 =	vmul.f32 s10, v35  }
0xa5: {  	s11 =	ssub.f32 $1.500000000e+00, s11;
	(xrf2) =	vadd.scan.msk.f32 $0xffff, v40;
	s26 =	smul.f32 s25, s8;
	s8 =	simm.s32 $0x12E40;
	[tilespmem:s1+$0x30] =	vst v41;
	v34 =	vmul.f32 s10, v34;
	v35 =	vmov s20  }
0xa6: {  	[tilespmem:s1+$0x0] =	vst v42;
	s2 =	sadd.s32 s6, s18;
	v62 =	vmul.f32 s10, v33;
	v36 =	vmul.f32 s10, v32;
	s22 =	sshrl.u32 s12, $0x1;
	s10 =	smul.f32 $5.000000000e-01, s12;
	v63 =	vsub.f32 v61, v35  }
0xa7: {  	[tilespmem:s1+$0x10] =	vst v43;
	s18 =	simm.s32 $0x6;
	s25 =	smul.f32 s16, s16;
	v33 =	vmul.f32 s26, v30;
	v32 =	vmul.f32 s26, v31;
	s28 =	ssub.s32 $0x5F3759DF, s22;
	v37 =	vsub.f32 v34, v35  }
0xa8: {  	[tilespmem:s1+$0x20] =	vst v54;
	s12 =	simm.s32 $0xC840;
	v40, _, _ =	vpop (xrf2);
	s19 =	smul.f32 s28, s10;
	s20 =	spop (v2sf);
	v30 =	vsub.f32 v62, v35;
	v34 =	vmul.f32 s26, v29;
	v38 =	vmul.f32 v63, v3  }
.LBB2_3:
0xa9: {  	v41 =	vld [tilespmem:s8+$0x0];
	(xrf2) =	vadd.scan.msk.f32 $0xffff, v39;
	s20 =	smul.f32 $1.562500000e-02, s20;
	v43 =	vmul.f32 v37, v0;
	v35 =	vsub.f32 v36, v35;
	v36 =	vmul.f32 s26, v12;
	v29 =	vmovc v14  }
0xaa: {  	s3 =	sadd.s32 $0x80, s3;
	v14 =	vmovc v28;
	v37 =	vld [tilespmem:s8+$0x10];
	s19 =	smul.f32 s28, s19;
	v44 =	vmul.f32 v30, v1;
	v38 =	vadd.f32 v38, v7;
	v30 =	vmovc v10;
	v10 =	vmov v16  }
0xab: {  	s1 =	sadd.s32 $0x80, s1;
	v28 =	vld [tilespmem:s3+$0x0];
	(v2sf) =	vpush v40, $0xF;
	v16, _, _ =	vpop (xrf2);
	s20 =	ssub.f32 s20, s25;
	s25 =	smul.f32 s11, s9;
	v39 =	vadd.f32 v43, v4;
	v35 =	vmul.f32 v35, v2  }
0xac: {  	v31 =	vmovc v9;
	v9 =	vmovc v15;
	s11 =	smul.f32 s26, s31;
	s31 =	smov.u32 s0;
	v40 =	vld [tilespmem:s3+$0x10];
	(v2sf) =	vpush v16, $0xF;
	s9 =	ssub.f32 $1.500000000e+00, s19;
	v42 =	vadd.f32 v44, v5;
	[tilespmem:s1+$0x30] =	vst v38;
	v16 =	vmov v27  }
0xad: {  	v15 =	vmovc v26;
	v12 =	vmovc v8;
	v8 =	vmov v13;
	v13 =	vmov v25;
	s0 =	smov.u32 s16;
	v27 =	vld [tilespmem:s3+$0x20];
	s19 =	sadd.f32 $9.999999740e-06, s20;
	s20 =	smul.f32 s25, s13;
	[tilespmem:s1+$0x0] =	vst v39;
	v35 =	vadd.f32 v35, v6  }
0xae: {  	v26 =	vmov s11;
	v25 =	vld [tilespmem:s3+$0x30];
	s9 =	smul.f32 s28, s9;
	[tilespmem:s1+$0x10] =	vst v42  }
0xaf: {  	v33 =	vsub.f32 v33, v26;
	v32 =	vsub.f32 v32, v26;
	v38 =	vld [tilespmem:s8+$0x20];
	s11 =	sshrl.u32 s19, $0x1;
	s13 =	smul.f32 $5.000000000e-01, s19;
	[tilespmem:s1+$0x20] =	vst v35  }
0xb0: {  	s18 =	sadd.s32 $0x2, s18;
	v34 =	vsub.f32 v34, v26;
	v26 =	vsub.f32 v36, v26;
	v35 =	vld [tilespmem:s8+$0x30];
	v39, _, _ =	vpop (xrf2);
	s11 =	ssub.s32 $0x5F3759DF, s11;
	s16 =	smul.f32 s9, s10  }
0xb1: {  	p1 =	slt.u32 s18, $0xC6;
	v33 =	vmul.f32 v33, v0;
	v32 =	vmul.f32 v32, v1;
	v36 =	vld [tilespmem:s3+$0xFFFFFFD0];
	(v2sf) =	vpush v39, $0xF;
	s19 =	smul.f32 s11, s13  }
0xb2: {  	v28 =	vmul.f32 $8.000000000e+00, v28;
	v40 =	vmul.f32 $8.000000000e+00, v40;
	v39 =	vld [tilespmem:s3+$0xFFFFFFE0];
	s16 =	smul.f32 s16, s9  }
0xb3: {  	v27 =	vmul.f32 $8.000000000e+00, v27;
	v33 =	vadd.f32 v33, v4;
	v42 =	vld [tilespmem:s3+$0xFFFFFFF0];
	v25 =	vmul.f32 $8.000000000e+00, v25;
	v43, _, _ =	vpop (xrf2);
	s19 =	smul.f32 s11, s19  }
0xb4: {  	s20 =	smul.f32 s20, s25;
	v34 =	vmul.f32 v34, v2;
	v41 =	vadd.f32 v41, v28;
	v37 =	vadd.f32 v37, v40;
	v44 =	vld [tilespmem:s3+$0xFFFFFFC0];
	s16 =	ssub.f32 $1.500000000e+00, s16  }
0xb5: {  	v38 =	vadd.f32 v38, v27;
	v28 =	vld [tilespmem:s8+$0xFFFFFFC0];
	v40 =	vadd.f32 v35, v25;
	s19 =	ssub.f32 $1.500000000e+00, s19;
	[tilespmem:s12+$0xFFFFFFC0] =	vst v33;
	v33 =	vmul.f32 v26, v3  }
0xb6: {  	s26 =	ssub.f32 $1.500000000e+00, s20;
	v27 =	vadd.f32 v37, v41;
	v25 =	vmul.f32 $8.000000000e+00, v36;
	v26 =	vld [tilespmem:s8+$0xFFFFFFD0];
	(v2sf) =	vpush v43, $0xF;
	s16 =	smul.f32 s16, s9  }
0xb7: {  	v45 =	vmul.f32 v37, v37;
	v43 =	vmul.f32 v41, v41;
	v35 =	vld [tilespmem:s8+$0xFFFFFFE0];
	v36 =	vadd.f32 v40, v38;
	s9 =	smul.f32 s11, s19  }
0xb8: {  	v32 =	vadd.f32 v32, v5;
	v47 =	vmul.f32 v38, v38;
	v48 =	vmul.f32 v40, v40;
	v46 =	vld [tilespmem:s8+$0xFFFFFFF0];
	s10 =	smul.f32 s16, s10  }
0xb9: {  	v39 =	vmul.f32 $8.000000000e+00, v39;
	v44 =	vmul.f32 $8.000000000e+00, v44;
	v36 =	vadd.f32 v36, v27;
	s11 =	smul.f32 s9, s13  }
0xba: {  	v42 =	vmul.f32 $8.000000000e+00, v42;
	v43 =	vadd.f32 v45, v43;
	v45 =	vadd.f32 v48, v47;
	s19 =	spop (v2sf);
	s10 =	smul.f32 s10, s16;
	[tilespmem:s12+$0xFFFFFFD0] =	vst v32  }
0xbb: {  	v28 =	vadd.f32 v28, v44;
	v27 =	vadd.f32 v26, v25;
	(xrf2) =	vadd.scan.msk.f32 $0xffff, v36;
	s19 =	smul.f32 $1.562500000e-02, s19;
	s20 =	spop (v2sf)  }
0xbc: {  	v32 =	vadd.f32 v45, v43;
	v26 =	vadd.f32 v35, v39;
	s20 =	smul.f32 $1.562500000e-02, s20;
	s10 =	ssub.f32 $1.500000000e+00, s10  }
0xbd: {  	v25 =	vadd.f32 v46, v42;
	v35 =	vadd.f32 v27, v28;
	v36 =	vmul.f32 v28, v28;
	s28 =	smul.f32 s19, s19  }
0xbe: {  	v39 =	vmul.f32 v27, v27;
	v42 =	vmul.f32 v26, v26;
	(xrf2) =	vadd.scan.msk.f32 $0xffff, v32;
	s10 =	smul.f32 s10, s16;
	v32 =	vadd.f32 v34, v6  }
0xbf: {  	v33 =	vadd.f32 v33, v7;
	s11 =	smul.f32 s11, s9;
	v34 =	vadd.f32 v25, v26;
	v43 =	vmul.f32 v25, v25;
	s20 =	ssub.f32 s20, s28  }
0xc0: {  	s16 =	spop (v2sf);
	s28 =	smul.f32 s10, s14  }
0xc1: {  	v39 =	vadd.f32 v39, v36;
	v44 =	vmul.f32 s10, v18;
	v45 =	vmul.f32 s10, v19;
	[tilespmem:s12+$0xFFFFFFE0] =	vst v32;
	v18 =	vmovc v22;
	v22 =	vmovc v41;
	s14 =	smov.u32 s19;
	s16 =	smul.f32 $1.562500000e-02, s16  }
.Ltmp0:
0xc2: {  	v41 =	vmul.f32 s10, v20;
	v32 =	vadd.f32 v34, v35;
	v34 =	vadd.f32 v43, v42;
	s19 =	sadd.f32 $9.999999740e-06, s20;
	[tilespmem:s12+$0xFFFFFFF0] =	vst v33;
	(pc) =	sbr.rel @p1 .LBB2_3-.Ltmp0, $4  }
0xc3: {  	s26 =	smul.f32 s26, s25;
	s11 =	ssub.f32 $1.500000000e+00, s11;
	v36 =	vmul.f32 s10, v17;
	v19 =	vmovc v21;
	v21 =	vmovc v37;
	v17 =	vmov v23;
	s12 =	smov.u32 s1;
	v35 =	vmov s28  }
0xc4: {  	v23 =	vmovc v38;
	v20 =	vmov v24;
	v39 =	vadd.f32 v34, v39;
	(xrf2) =	vadd.scan.msk.f32 $0xffff, v32;
	s20 =	sshrl.u32 s19, $0x1;
	s10 =	smul.f32 $5.000000000e-01, s19;
	v34 =	vsub.f32 v41, v35  }
0xc5: {  	v24 =	vmovc v40;
	v33 =	vmul.f32 s26, v11;
	v11 =	vmovc v29;
	s25 =	smul.f32 s16, s16;
	v37 =	vsub.f32 v44, v35;
	v32 =	vmul.f32 s26, v30;
	s28 =	ssub.s32 $0x5F3759DF, s20  }
0xc6: {  	s8 =	sadd.s32 $0x80, s8;
	v30 =	vsub.f32 v45, v35;
	v40, _, _ =	vpop (xrf2);
	s19 =	smul.f32 s28, s10;
	s20 =	spop (v2sf);
	v38 =	vmul.f32 v34, v3;
	v34 =	vmul.f32 s26, v31  }
0xc7: {  	_ = 	snop  }
0xc8: {  	(v2sf) =	vpush v40, $0xF;
	v29, _, _ =	vpop (xrf2)  }
0xc9: {  	s3 =	smul.f32 s28, s19;
	(v2sf) =	vpush v29, $0xF  }
0xca: {  	(xrf2) =	vadd.scan.msk.f32 $0xffff, v39  }
0xcb: {  	s3 =	ssub.f32 $1.500000000e+00, s3  }
0xcc: {  	s8 =	smul.f32 $1.562500000e-02, s20  }
0xcd: {  	s3 =	smul.f32 s28, s3  }
0xce: {  	s9 =	smul.f32 s11, s9;
	s8 =	ssub.f32 s8, s25  }
0xcf: {  	s18 =	smul.f32 s3, s10  }
0xd0: {  	s13 =	smul.f32 s9, s13;
	s8 =	sadd.f32 $9.999999740e-06, s8;
	v29, _, _ =	vpop (xrf2)  }
0xd1: {  	(v2sf) =	vpush v29, $0xF;
	s18 =	smul.f32 s18, s3  }
0xd2: {  	s25 =	sshrl.u32 s8, $0x1;
	s11 =	smul.f32 $5.000000000e-01, s8  }
0xd3: {  	s13 =	smul.f32 s13, s9;
	s19 =	ssub.s32 $0x5F3759DF, s25;
	s18 =	ssub.f32 $1.500000000e+00, s18  }
0xd4: {  	s20 =	smul.f32 s19, s11;
	v29, _, _ =	vpop (xrf2)  }
0xd5: {  	(v2sf) =	vpush v29, $0xF;
	s3 =	smul.f32 s18, s3  }
0xd6: {  	s18 =	smul.f32 s19, s20  }
0xd7: {  	s10 =	smul.f32 s3, s10;
	s22 =	spop (v2sf)  }
0xd8: {  	s8 =	smul.f32 $1.562500000e-02, s22;
	s25 =	spop (v2sf)  }
0xd9: {  	s20 =	smul.f32 $1.562500000e-02, s25  }
0xda: {  	s18 =	ssub.f32 $1.500000000e+00, s18;
	s22 =	smul.f32 s8, s8  }
0xdb: {  	s13 =	ssub.f32 $1.500000000e+00, s13;
	s10 =	smul.f32 s10, s3  }
0xdc: {  	s18 =	smul.f32 s19, s18;
	s25 =	ssub.f32 s20, s22  }
0xdd: {  	s13 =	smul.f32 s13, s9;
	s10 =	ssub.f32 $1.500000000e+00, s10  }
0xde: {  	s20 =	smul.f32 s18, s11;
	s19 =	sadd.f32 $9.999999740e-06, s25  }
0xdf: {  	s25 =	smul.f32 s10, s3  }
0xe0: {  	s10 =	spop (v2sf);
	s22 =	sshrl.u32 s19, $0x1;
	s19 =	smul.f32 $5.000000000e-01, s19  }
0xe1: {  	s3 =	smul.f32 $1.562500000e-02, s10;
	s10 =	ssub.s32 $0x5F3759DF, s22  }
0xe2: {  	s28 =	smul.f32 s10, s19  }
0xe3: {  	s20 =	smul.f32 s20, s18  }
0xe4: {  	s22 =	spop (v2sf);
	s9 =	smul.f32 s10, s28  }
0xe5: {  	s22 =	smul.f32 $1.562500000e-02, s22  }
0xe6: {  	s28 =	smul.f32 s3, s3;
	s9 =	ssub.f32 $1.500000000e+00, s9  }
0xe7: {  	s20 =	ssub.f32 $1.500000000e+00, s20;
	s14 =	smul.f32 s25, s14  }
0xe8: {  	s22 =	ssub.f32 s22, s28;
	s28 =	smul.f32 s10, s9  }
0xe9: {  	s10 =	smul.f32 s26, s31  }
0xea: {  	s9 =	smul.f32 s20, s18  }
0xeb: {  	v12 =	vmul.f32 s26, v12;
	s18 =	sadd.f32 $9.999999740e-06, s22;
	s26 =	smul.f32 s13, s0  }
0xec: {  	v31 =	vsub.f32 v36, v35;
	v30 =	vmul.f32 v30, v1;
	s20 =	smul.f32 s28, s19  }
0xed: {  	v44 =	vadd.f32 v38, v7;
	v43 =	vmov s10;
	s22 =	sshrl.u32 s18, $0x1;
	s10 =	smul.f32 $5.000000000e-01, s18  }
0xee: {  	v31 =	vmul.f32 v31, v2;
	v30 =	vadd.f32 v30, v5;
	v20 =	vmul.f32 s25, v20;
	s18 =	ssub.s32 $0x5F3759DF, s22;
	s20 =	smul.f32 s20, s28  }
0xef: {  	v18 =	vmul.f32 s25, v18;
	v19 =	vmul.f32 s25, v19;
	v45 =	vmov s14;
	s22 =	smul.f32 s18, s10  }
0xf0: {  	v11 =	vmul.f32 s13, v11;
	v17 =	vmul.f32 s25, v17;
	v20 =	vsub.f32 v20, v45;
	s11 =	smul.f32 s9, s11  }
0xf1: {  	v10 =	vmul.f32 s13, v10;
	v18 =	vsub.f32 v18, v45;
	v19 =	vsub.f32 v19, v45;
	s0 =	ssub.f32 $1.500000000e+00, s20;
	s20 =	smul.f32 s18, s22  }
0xf2: {  	v29 =	vmul.f32 v37, v0;
	v17 =	vsub.f32 v17, v45;
	v20 =	vmul.f32 v20, v3  }
0xf3: {  	v31 =	vadd.f32 v31, v6;
	v18 =	vmul.f32 v18, v0;
	v19 =	vmul.f32 v19, v1;
	s11 =	smul.f32 s11, s9;
	s14 =	ssub.f32 $1.500000000e+00, s20  }
0xf4: {  	v29 =	vadd.f32 v29, v4;
	v17 =	vmul.f32 v17, v2;
	v20 =	vadd.f32 v20, v7;
	s22 =	smul.f32 s0, s28  }
0xf5: {  	v9 =	vmul.f32 s13, v9;
	v18 =	vadd.f32 v18, v4;
	v19 =	vadd.f32 v19, v5;
	s18 =	smul.f32 s18, s14  }
0xf6: {  	v8 =	vmul.f32 s13, v8;
	v17 =	vadd.f32 v17, v6;
	v33 =	vsub.f32 v33, v43;
	s20 =	smul.f32 s22, s19  }
0xf7: {  	v46 =	vmov s26;
	v32 =	vsub.f32 v32, v43;
	v34 =	vsub.f32 v34, v43;
	s0 =	sadd.s32 $0x80, s1;
	s25 =	smul.f32 s18, s10  }
0xf8: {  	v12 =	vsub.f32 v12, v43;
	v11 =	vsub.f32 v11, v46;
	v33 =	vmul.f32 v33, v0;
	[tilespmem:s0+$0x30] =	vst v44;
	s14 =	smul.f32 s20, s22  }
0xf9: {  	v10 =	vsub.f32 v10, v46;
	v9 =	vsub.f32 v9, v46;
	v32 =	vmul.f32 v32, v1;
	s11 =	ssub.f32 $1.500000000e+00, s11;
	[tilespmem:s0+$0x0] =	vst v29;
	s1 =	smul.f32 s25, s18  }
0xfa: {  	v8 =	vsub.f32 v8, v46;
	v12 =	vmul.f32 v12, v3;
	v33 =	vadd.f32 v33, v4;
	[tilespmem:s0+$0x10] =	vst v30;
	s14 =	ssub.f32 $1.500000000e+00, s14  }
0xfb: {  	v11 =	vmul.f32 v11, v0;
	v10 =	vmul.f32 v10, v1;
	v32 =	vadd.f32 v32, v5;
	s9 =	smul.f32 s11, s9;
	[tilespmem:s0+$0x20] =	vst v31;
	s1 =	ssub.f32 $1.500000000e+00, s1  }
0xfc: {  	v34 =	vmul.f32 v34, v2;
	v9 =	vmul.f32 v9, v2;
	v12 =	vadd.f32 v12, v7;
	[tilespmem:s12+$0xFFFFFFC0] =	vst v33;
	s13 =	smul.f32 s14, s22  }
0xfd: {  	v8 =	vmul.f32 v8, v3;
	v11 =	vadd.f32 v11, v4;
	v10 =	vadd.f32 v10, v5;
	[tilespmem:s12+$0xFFFFFFD0] =	vst v32;
	s18 =	smul.f32 s1, s18  }
0xfe: {  	v9 =	vadd.f32 v9, v6;
	[tilespmem:s12+$0xFFFFFFF0] =	vst v12;
	v14 =	vmul.f32 s9, v14;
	v16 =	vmul.f32 s9, v16;
	s8 =	smul.f32 s13, s8  }
0xff: {  	v8 =	vadd.f32 v8, v7;
	[tilespmem:s0+$0xFFFFFFD0] =	vst v10;
	s19 =	sadd.s32 $0x80, s0;
	v22 =	vmul.f32 s13, v22;
	v24 =	vmul.f32 s13, v24;
	s20 =	smul.f32 s18, s10  }
0x100: {  	[tilespmem:s19+$0x30] =	vst v20;
	s22 =	smul.f32 s9, s16;
	v12 =	vmul.f32 s13, v21;
	v20 =	vmul.f32 s13, v23;
	v21 =	vmov s8  }
0x101: {  	[tilespmem:s0+$0xFFFFFFF0] =	vst v8;
	v15 =	vmul.f32 s9, v15;
	v10 =	vmul.f32 s9, v13;
	v23 =	vsub.f32 v24, v21;
	s8 =	smul.f32 s20, s18  }
0x102: {  	[tilespmem:s19+$0x10] =	vst v19;
	v22 =	vsub.f32 v22, v21;
	v19 =	vsub.f32 v20, v21;
	v20 =	vmov s22  }
0x103: {  	[tilespmem:s19+$0x0] =	vst v18;
	v12 =	vsub.f32 v12, v21;
	v14 =	vsub.f32 v14, v20;
	v18 =	vmul.f32 v23, v3;
	s8 =	ssub.f32 $1.500000000e+00, s8  }
0x104: {  	[tilespmem:s19+$0x20] =	vst v17;
	v16 =	vsub.f32 v16, v20;
	v8 =	vsub.f32 v15, v20;
	v17 =	vmul.f32 v22, v0  }
0x105: {  	[tilespmem:s0+$0xFFFFFFC0] =	vst v11;
	v10 =	vsub.f32 v10, v20;
	v12 =	vmul.f32 v12, v1;
	v11 =	vadd.f32 v18, v7;
	s8 =	smul.f32 s8, s18  }
0x106: {  	[tilespmem:s0+$0xFFFFFFE0] =	vst v9;
	s25 =	sadd.s32 $0x80, s19;
	v14 =	vmul.f32 v14, v0;
	v18 =	vmul.f32 v19, v2;
	v13 =	vadd.f32 v17, v4  }
0x107: {  	v8 =	vmul.f32 v8, v2;
	v10 =	vmul.f32 v10, v3;
	v12 =	vadd.f32 v12, v5;
	[tilespmem:s25+$0x30] =	vst v11;
	s3 =	smul.f32 s8, s3  }
0x108: {  	v9 =	vadd.f32 v18, v6;
	v11 =	vmul.f32 v16, v1;
	[tilespmem:s25+$0x0] =	vst v13;
	v15 =	vmul.f32 s8, v28  }
0x109: {  	v14 =	vadd.f32 v14, v4;
	[tilespmem:s25+$0x10] =	vst v12;
	v13 =	vmul.f32 s8, v27;
	v16 =	vmov s3  }
0x10a: {  	[tilespmem:s25+$0x20] =	vst v9;
	v9 =	vadd.f32 v11, v5;
	v11 =	vmul.f32 s8, v25;
	v15 =	vsub.f32 v15, v16  }
0x10b: {  	v8 =	vadd.f32 v8, v6;
	v12 =	vmul.f32 s8, v26;
	[tilespmem:s19+$0xFFFFFFC0] =	vst v14;
	v13 =	vsub.f32 v13, v16  }
0x10c: {  	[tilespmem:s19+$0xFFFFFFD0] =	vst v9;
	v9 =	vadd.f32 v10, v7;
	v10 =	vsub.f32 v11, v16;
	v14 =	vmul.f32 v15, v0  }
0x10d: {  	v34 =	vadd.f32 v34, v6;
	[tilespmem:s19+$0xFFFFFFE0] =	vst v8;
	v12 =	vsub.f32 v12, v16;
	v11 =	vmul.f32 v13, v1  }
0x10e: {  	[tilespmem:s19+$0xFFFFFFF0] =	vst v9;
	v9 =	vmul.f32 v10, v3;
	v8 =	vadd.f32 v14, v4  }
0x10f: {  	[tilespmem:s12+$0xFFFFFFE0] =	vst v34;
	v12 =	vmul.f32 v12, v2;
	v10 =	vadd.f32 v11, v5  }
0x110: {  	p1 =	seq.s32 s29, $0x3F;
	s26 =	smul.u32 $0x640, s2;
	v9 =	vadd.f32 v9, v7;
	[tilespmem:s25+$0xFFFFFFC0] =	vst v8  }
0x111: {  	s1 =	smul.u32 @!p1 $0x640, s29;
	v8 =	vadd.f32 v12, v6;
	[tilespmem:s25+$0xFFFFFFD0] =	vst v10  }
0x112: {  	[tilespmem:s25+$0xFFFFFFF0] =	vst v9  }
0x113: {  	s2 =	sadd.s32 s4, s26;
	s0 =	sshra.s32 @!p1 s1, $0x2;
	s3 =	simm.s32 $0xC800;
	[tilespmem:s25+$0xFFFFFFE0] =	vst v8  }
0x114: {  	[hbm4b:s2+s5] =	stream.linear.scatter [tilespmem:s3], [sflag:$0x3], $0x3200, $0x38;
	[tilespmem:$0x15E80] =	vst v63  }
0x115: {  	s1 =	sadd.s32 @!p1 $0x190, s0;
	s2 =	simm.s32 @!p1 $0x68;
	s3 =	simm.s32 @!p1 $0x6400  }
0x116: {  	[tilespmem:s3], [sflag:$0x1] =	stream.indirect.gather @!p1 [hbm4b:s7+s2], $0x40, s1, s2, $0xb8;
	[tilespmem:$0x15E80] =	vst v63  }
0x117: {  	s0 =	sadd.s32 @!p1 $0x1F8, s0;
	s1 =	simm.s32 @!p1 $0x60;
	s2 =	simm.s32 @!p1 $0x7E00  }
0x118: {  	[tilespmem:s2], [sflag:$0x1] =	stream.indirect.gather @!p1 [hbm4b:s7+s1], $0x40, s0, s1, $0xb8;
	[tilespmem:$0x15E80] =	vst v63  }
0x119: {  	_ =	swait.ge [sflag:s23], $0x1A00  }
0x11a: {  	[sflag:s23] =	ssyncset.done $0x0  }
0x11b: {  	[sflag:s23] =	ssyncadd.s32 $0xFFFFE600  }
0x11c: {  	_ =	swait.ge [sflag:s23], $0x1800  }
0x11d: {  	[sflag:s23] =	ssyncset.done $0x0  }
0x11e: {  	s0 =	simm.s32 @!p0 $0x4;
	[sflag:s23] =	ssyncadd.s32 $0xFFFFE800  }
0x11f: {  	_ =	swait.ge @!p0 [sflag:s0], $0x3200  }
0x120: {  	[sflag:s0] =	ssyncset.done @!p0 $0x0  }
0x121: {  	s8 =	simm.s32 $0x12C40;
	[sflag:s0] =	ssyncadd.s32 @!p0 $0xFFFFCE00  }
0x122: {  	v8 =	vld [tilespmem:s8+$0x0]  }
0x123: {  	s9 =	simm.s32 $0x9670;
	v9 =	vld [tilespmem:s8+$0x10]  }
0x124: {  	v10 =	vld [tilespmem:s9+$0xFFFFFFD0]  }
0x125: {  	v11 =	vld [tilespmem:s9+$0xFFFFFFE0]  }
0x126: {  	v12 =	vld [tilespmem:s9+$0xFFFFFFF0]  }
0x127: {  	v13 =	vld [tilespmem:s9+$0x0]  }
0x128: {  	v14 =	vld [tilespmem:s8+$0x20]  }
0x129: {  	v15 =	vld [tilespmem:s8+$0x30];
	_ =	sdelay $0x1  }
0x12a: {  	v16 =	vld [tilespmem:s9+$0xFFFFFFA0];
	v10 =	vmul.f32 $8.000000000e+00, v10;
	v11 =	vmul.f32 $8.000000000e+00, v11  }
0x12b: {  	v17 =	vld [tilespmem:s9+$0xFFFFFFB0];
	v12 =	vmul.f32 $8.000000000e+00, v12;
	v13 =	vmul.f32 $8.000000000e+00, v13  }
0x12c: {  	v20 =	vld [tilespmem:s8+$0xFFFFFFE0];
	v23 =	vadd.f32 v8, v10;
	v22 =	vadd.f32 v9, v11  }
0x12d: {  	v8 =	vld [tilespmem:s9+$0xFFFFFFC0];
	v21 =	vadd.f32 v14, v12;
	v24 =	vadd.f32 v15, v13  }
0x12e: {  	v9 =	vld [tilespmem:s9+$0xFFFFFF90];
	v10 =	vmul.f32 v23, v23;
	v11 =	vmul.f32 v22, v22  }
0x12f: {  	v12 =	vld [tilespmem:s8+$0xFFFFFFC0];
	v13 =	vmul.f32 v21, v21;
	v14 =	vmul.f32 v24, v24  }
0x130: {  	v15 =	vld [tilespmem:s8+$0xFFFFFFD0];
	v18 =	vadd.f32 v22, v23;
	v19 =	vadd.f32 v24, v21  }
0x131: {  	v10 =	vadd.f32 v11, v10;
	v11 =	vadd.f32 v14, v13;
	v13 =	vld [tilespmem:s8+$0xFFFFFFF0]  }
0x132: {  	v14 =	vadd.f32 v19, v18  }
0x133: {  	v9 =	vmul.f32 $8.000000000e+00, v9;
	v10 =	vadd.f32 v11, v10;
	v11 =	vmul.f32 $8.000000000e+00, v16  }
0x134: {  	v8 =	vmul.f32 $8.000000000e+00, v8;
	(xrf2) =	vadd.scan.msk.f32 $0xffff, v14;
	v14 =	vmul.f32 $8.000000000e+00, v17  }
0x135: {  	v30 =	vadd.f32 v12, v9;
	(xrf2) =	vadd.scan.msk.f32 $0xffff, v10;
	v31 =	vadd.f32 v15, v11  }
0x136: {  	v29 =	vadd.f32 v20, v14;
	v12 =	vadd.f32 v13, v8;
	_ =	sdelay $0x1  }
0x137: {  	v8 =	vadd.f32 v31, v30;
	v9 =	vadd.f32 v12, v29  }
0x138: {  	v10 =	vmul.f32 v30, v30;
	v11 =	vmul.f32 v31, v31  }
0x139: {  	v13 =	vmul.f32 v29, v29;
	v14 =	vmul.f32 v12, v12;
	v8 =	vadd.f32 v9, v8  }
0x13a: {  	s10 =	simm.s32 $0x12CC0  }
0x13b: {  	v16 =	vld [tilespmem:s10+$0x30];
	v9 =	vadd.f32 v11, v10;
	v10 =	vadd.f32 v14, v13  }
0x13c: {  	s11 =	simm.s32 $0x96F0;
	v11 =	vld [tilespmem:s10+$0x0];
	(xrf2) =	vadd.scan.msk.f32 $0xffff, v8  }
0x13d: {  	v13 =	vld [tilespmem:s11+$0xFFFFFFD0];
	v9 =	vadd.f32 v10, v9;
	v8, _, _ =	vpop (xrf2)  }
0x13e: {  	v14 =	vld [tilespmem:s11+$0x0];
	(v2sf) =	vpush v8, $0xF;
	v8, _, _ =	vpop (xrf2)  }
0x13f: {  	(xrf2) =	vadd.scan.msk.f32 $0xffff, v9;
	v9 =	vld [tilespmem:s11+$0xFFFFFFF0];
	(v2sf) =	vpush v8, $0xF  }
0x140: {  	v8 =	vld [tilespmem:s11+$0xFFFFFFE0]  }
0x141: {  	v15 =	vld [tilespmem:s10+$0x20]  }
0x142: {  	v10 =	vld [tilespmem:s10+$0x10]  }
0x143: {  	v26 =	vld [tilespmem:s10+$0xFFFFFFF0];
	v13 =	vmul.f32 $8.000000000e+00, v13  }
0x144: {  	v19 =	vld [tilespmem:s11+$0xFFFFFFB0];
	v14 =	vmul.f32 $8.000000000e+00, v14;
	v9 =	vmul.f32 $8.000000000e+00, v9  }
0x145: {  	v17 =	vld [tilespmem:s11+$0xFFFFFFA0];
	v34 =	vadd.f32 v11, v13;
	v8 =	vmul.f32 $8.000000000e+00, v8  }
0x146: {  	v20 =	vld [tilespmem:s11+$0xFFFFFF90];
	v35 =	vadd.f32 v16, v14;
	v18, _, _ =	vpop (xrf2);
	v32 =	vadd.f32 v15, v9  }
0x147: {  	(v2sf) =	vpush v18, $0xF;
	v18 =	vld [tilespmem:s11+$0xFFFFFFC0];
	v33 =	vadd.f32 v10, v8  }
0x148: {  	v11 =	vmul.f32 v34, v34;
	v15 =	vmul.f32 v35, v35;
	v8 =	vld [tilespmem:s10+$0xFFFFFFC0]  }
0x149: {  	v10 =	vld [tilespmem:s10+$0xFFFFFFD0];
	v14 =	vmul.f32 v32, v32;
	v25 =	vadd.f32 v35, v32;
	v9, _, _ =	vpop (xrf2);
	v13 =	vmul.f32 v33, v33  }
0x14a: {  	v16 =	vadd.f32 v33, v34;
	(v2sf) =	vpush v9, $0xF;
	v9 =	vld [tilespmem:s10+$0xFFFFFFE0]  }
0x14b: {  	v11 =	vadd.f32 v13, v11;
	v13 =	vadd.f32 v15, v14  }
0x14c: {  	v14 =	vmul.f32 $8.000000000e+00, v17;
	v15 =	vmul.f32 $8.000000000e+00, v20;
	v16 =	vadd.f32 v25, v16  }
0x14d: {  	v17 =	vmul.f32 $8.000000000e+00, v19;
	v18 =	vmul.f32 $8.000000000e+00, v18;
	v13 =	vadd.f32 v13, v11;
	s12 =	spop (v2sf)  }
0x14e: {  	v11 =	vadd.f32 v8, v15;
	v10 =	vadd.f32 v10, v14;
	(xrf2) =	vadd.scan.msk.f32 $0xffff, v16;
	s1 =	smul.f32 $1.562500000e-02, s12;
	s13 =	spop (v2sf)  }
0x14f: {  	v8 =	vadd.f32 v26, v18;
	v9 =	vadd.f32 v9, v17;
	s0 =	smul.f32 $1.562500000e-02, s13  }
0x150: {  	(xrf2) =	vadd.scan.msk.f32 $0xffff, v13;
	v13 =	vadd.f32 v10, v11;
	s14 =	smul.f32 s1, s1  }
0x151: {  	v15 =	vmul.f32 v11, v11;
	v16 =	vmul.f32 v10, v10;
	v14 =	vadd.f32 v8, v9  }
0x152: {  	v18 =	vmul.f32 v8, v8;
	v17 =	vmul.f32 v9, v9;
	s0 =	ssub.f32 s0, s14  }
0x153: {  	v13 =	vadd.f32 v14, v13  }
0x154: {  	v14 =	vadd.f32 v16, v15;
	v15 =	vadd.f32 v18, v17;
	s0 =	sadd.f32 $9.999999740e-06, s0;
	_ =	sdelay $0x1  }
0x155: {  	s16 =	spop (v2sf);
	s18 =	sshrl.u32 s0, $0x1;
	s0 =	smul.f32 $5.000000000e-01, s0  }
0x156: {  	(xrf2) =	vadd.scan.msk.f32 $0xffff, v13;
	s31 =	smul.f32 $1.562500000e-02, s16;
	s19 =	ssub.s32 $0x5F3759DF, s18  }
0x157: {  	s26 =	simm.s32 $0x9770;
	v13 =	vadd.f32 v15, v14;
	v15, _, _ =	vpop (xrf2);
	s20 =	smul.f32 s19, s0  }
0x158: {  	s3 =	simm.s32 $0x12D40;
	v48 =	vld [tilespmem:s26+$0xFFFFFF90];
	(v2sf) =	vpush v15, $0xF;
	s22 =	smul.f32 s31, s31;
	s25 =	spop (v2sf)  }
0x159: {  	v20 =	vld [tilespmem:s3+$0x20];
	v15, _, _ =	vpop (xrf2);
	s10 =	smul.f32 $1.562500000e-02, s25  }
0x15a: {  	v25 =	vld [tilespmem:s3+$0x30];
	(v2sf) =	vpush v15, $0xF;
	s8 =	smul.f32 s19, s20  }
0x15b: {  	v17 =	vld [tilespmem:s26+$0xFFFFFFE0];
	(xrf2) =	vadd.scan.msk.f32 $0xffff, v13;
	s9 =	ssub.f32 s10, s22  }
0x15c: {  	v13 =	vld [tilespmem:s26+$0xFFFFFFD0];
	s8 =	ssub.f32 $1.500000000e+00, s8  }
0x15d: {  	v15 =	vld [tilespmem:s26+$0xFFFFFFF0];
	s12 =	sadd.f32 $9.999999740e-06, s9  }
0x15e: {  	v18 =	vld [tilespmem:s26+$0x0];
	s2 =	smul.f32 s19, s8  }
0x15f: {  	v14 =	vld [tilespmem:s3+$0x0];
	s14 =	sshrl.u32 s12, $0x1;
	s9 =	smul.f32 $5.000000000e-01, s12  }
0x160: {  	v16 =	vld [tilespmem:s3+$0x10];
	v19, _, _ =	vpop (xrf2);
	s13 =	smul.f32 s2, s0;
	s16 =	ssub.s32 $0x5F3759DF, s14  }
0x161: {  	v26 =	vld [tilespmem:s26+$0xFFFFFFA0];
	v13 =	vmul.f32 $8.000000000e+00, v13;
	(v2sf) =	vpush v19, $0xF;
	s12 =	smul.f32 s16, s9  }
0x162: {  	v27 =	vld [tilespmem:s26+$0xFFFFFFB0];
	v15 =	vmul.f32 $8.000000000e+00, v15;
	s10 =	smul.f32 s13, s2  }
0x163: {  	v28 =	vld [tilespmem:s26+$0xFFFFFFC0];
	v47 =	vmul.f32 $8.000000000e+00, v18;
	v19 =	vmul.f32 $8.000000000e+00, v17;
	s18 =	smul.f32 s16, s12  }
0x164: {  	v17 =	vadd.f32 v14, v13;
	v14 =	vld [tilespmem:s3+$0xFFFFFFC0];
	v18 =	vadd.f32 v20, v15;
	s10 =	ssub.f32 $1.500000000e+00, s10  }
0x165: {  	v37 =	vmul.f32 $8.000000000e+00, v48;
	v13, _, _ =	vpop (xrf2);
	v20 =	vadd.f32 v25, v47;
	v19 =	vadd.f32 v16, v19;
	v16 =	vld [tilespmem:s3+$0xFFFFFFD0];
	s19 =	ssub.f32 $1.500000000e+00, s18  }
0x166: {  	v15 =	vmul.f32 $8.000000000e+00, v26;
	(v2sf) =	vpush v13, $0xF;
	v13 =	vld [tilespmem:s3+$0xFFFFFFE0];
	v25 =	vmul.f32 v17, v17;
	s10 =	smul.f32 s10, s2  }
0x167: {  	v49 =	vld [tilespmem:s3+$0xFFFFFFF0];
	v50 =	vmul.f32 v18, v18;
	v26 =	vmul.f32 v19, v19;
	s20 =	spop (v2sf);
	s8 =	smul.f32 s16, s19  }
0x168: {  	v51 =	vmul.f32 v20, v20;
	v41 =	vadd.f32 v20, v18;
	v52 =	vadd.f32 v19, v17;
	s2 =	smul.f32 $1.562500000e-02, s20  }
0x169: {  	v27 =	vmul.f32 $8.000000000e+00, v27;
	v14 =	vadd.f32 v14, v37;
	v25 =	vadd.f32 v26, v25;
	s0 =	smul.f32 s10, s0;
	s22 =	spop (v2sf)  }
0x16a: {  	v28 =	vmul.f32 $8.000000000e+00, v28;
	v26 =	vadd.f32 v51, v50;
	v53 =	vadd.f32 v41, v52;
	s3 =	smul.f32 $1.562500000e-02, s22  }
0x16b: {  	v16 =	vadd.f32 v16, v15;
	v15 =	vadd.f32 v13, v27;
	s25 =	smul.f32 s2, s2  }
0x16c: {  	v13 =	vadd.f32 v49, v28;
	v25 =	vadd.f32 v26, v25;
	s0 =	smul.f32 s0, s10  }
0x16d: {  	(xrf2) =	vadd.scan.msk.f32 $0xffff, v53;
	s26 =	smul.f32 s8, s9;
	s3 =	ssub.f32 s3, s25  }
0x16e: {  	v26 =	vadd.f32 v13, v15;
	(xrf2) =	vadd.scan.msk.f32 $0xffff, v25;
	v25 =	vadd.f32 v16, v14;
	s0 =	ssub.f32 $1.500000000e+00, s0  }
0x16f: {  	v27 =	vmul.f32 v14, v14;
	v28 =	vmul.f32 v16, v16;
	s13 =	smul.f32 s26, s8;
	s11 =	sadd.f32 $9.999999740e-06, s3  }
0x170: {  	v36 =	vmul.f32 v13, v13;
	v25 =	vadd.f32 v26, v25;
	v26 =	vmul.f32 v15, v15;
	s12 =	smul.f32 s0, s10;
	s10 =	spop (v2sf)  }
0x171: {  	s13 =	ssub.f32 $1.500000000e+00, s13;
	s0 =	smul.f32 $1.562500000e-02, s10  }
0x172: {  	(xrf2) =	vadd.scan.msk.f32 $0xffff, v25;
	v25 =	vadd.f32 v28, v27;
	v26 =	vadd.f32 v36, v26;
	s10 =	smul.f32 $5.000000000e-01, s11  }
0x173: {  	s3 =	simm.s32 $0x97F0;
	s14 =	sshrl.u32 s11, $0x1;
	s8 =	smul.f32 s13, s8  }
0x174: {  	v55 =	vld [tilespmem:s3+$0xFFFFFFE0];
	v25 =	vadd.f32 v26, v25;
	s20 =	ssub.s32 $0x5F3759DF, s14;
	s16 =	smul.f32 s0, s0  }
0x175: {  	v56 =	vld [tilespmem:s3+$0xFFFFFFF0];
	s25 =	spop (v2sf);
	s22 =	smul.f32 s20, s10  }
0x176: {  	v44 =	vld [tilespmem:s3+$0xFFFFFFB0];
	s19 =	smul.f32 $1.562500000e-02, s25  }
0x177: {  	s11 =	simm.s32 $0x12DC0;
	v26 =	vld [tilespmem:s3+$0xFFFFFFD0];
	v54, _, _ =	vpop (xrf2);
	s18 =	smul.f32 s20, s22  }
0x178: {  	v27 =	vld [tilespmem:s11+$0x0];
	s1 =	smul.f32 s12, s1;
	(xrf2) =	vadd.scan.msk.f32 $0xffff, v25;
	(v2sf) =	vpush v54, $0xF;
	v25, _, _ =	vpop (xrf2);
	s14 =	ssub.f32 s19, s16  }
0x179: {  	v28 =	vld [tilespmem:s11+$0x10];
	v24 =	vmul.f32 s12, v24;
	v22 =	vmul.f32 s12, v22;
	(v2sf) =	vpush v25, $0xF;
	s26 =	ssub.f32 $1.500000000e+00, s18  }
0x17a: {  	v23 =	vmul.f32 s12, v23;
	v57 =	vld [tilespmem:s11+$0x20];
	s9 =	smul.f32 s8, s9;
	v58 =	vmov s1;
	s14 =	sadd.f32 $9.999999740e-06, s14  }
0x17b: {  	v60 =	vsub.f32 v24, v58;
	v25 =	vld [tilespmem:s3+$0x0];
	s1 =	smul.f32 s20, s26  }
0x17c: {  	v42 =	vsub.f32 v23, v58;
	v24 =	vmul.f32 $8.000000000e+00, v55;
	v23 =	vmul.f32 $8.000000000e+00, v26;
	v26 =	vld [tilespmem:s3+$0xFFFFFFA0];
	s18 =	sshrl.u32 s14, $0x1;
	s13 =	smul.f32 $5.000000000e-01, s14  }
0x17d: {  	v59 =	vld [tilespmem:s11+$0x30];
	v43 =	vsub.f32 v22, v58;
	v22, _, _ =	vpop (xrf2);
	s14 =	ssub.s32 $0x5F3759DF, s18;
	s19 =	smul.f32 s1, s10  }
0x17e: {  	v61 =	vmul.f32 s12, v21;
	v21 =	vadd.f32 v28, v24;
	v28 =	vld [tilespmem:s3+$0xFFFFFF90];
	(v2sf) =	vpush v22, $0xF;
	s20 =	smul.f32 s14, s13  }
0x17f: {  	v48 =	vld [tilespmem:s11+$0xFFFFFFC0];
	v36 =	vmul.f32 $8.000000000e+00, v56;
	v22 =	vadd.f32 v27, v23;
	s22 =	smul.f32 s19, s1  }
0x180: {  	v45 =	vmul.f32 v21, v21;
	v27 =	vld [tilespmem:s3+$0xFFFFFFC0];
	v25 =	vmul.f32 $8.000000000e+00, v25;
	s25 =	smul.f32 s14, s20  }
0x181: {  	v46 =	vld [tilespmem:s11+$0xFFFFFFD0];
	v23 =	vadd.f32 v57, v36;
	v26 =	vmul.f32 $8.000000000e+00, v26;
	v62 =	vadd.f32 v21, v22;
	s12 =	ssub.f32 $1.500000000e+00, s22  }
0x182: {  	v52 =	vld [tilespmem:s11+$0xFFFFFFE0];
	s26 =	smul.f32 s9, s8;
	v50 =	vmul.f32 v22, v22;
	v24 =	vadd.f32 v59, v25;
	v25 =	vsub.f32 v61, v58;
	v63, _, _ =	vpop (xrf2);
	s16 =	ssub.f32 $1.500000000e+00, s25  }
0x183: {  	v53 =	vld [tilespmem:s11+$0xFFFFFFF0];
	v51 =	vmul.f32 v23, v23;
	v28 =	vmul.f32 $8.000000000e+00, v28;
	(v2sf) =	vpush v63, $0xF;
	s1 =	smul.f32 s12, s1  }
0x184: {  	v40 =	vadd.f32 v45, v50;
	v49 =	vadd.f32 v24, v23;
	v25 =	vmul.f32 v25, v2;
	s9 =	smul.f32 s14, s16  }
0x185: {  	v28 =	vadd.f32 v48, v28;
	v47 =	vmul.f32 v24, v24;
	v55 =	vmul.f32 $8.000000000e+00, v27;
	s10 =	smul.f32 s1, s10  }
0x186: {  	v36 =	vadd.f32 v49, v62;
	v54 =	vadd.f32 v25, v6;
	v25 =	vmul.f32 $8.000000000e+00, v44;
	s19 =	smul.f32 s9, s13  }
0x187: {  	v27 =	vadd.f32 v46, v26;
	v37 =	vadd.f32 v47, v51;
	s20 =	spop (v2sf);
	s10 =	smul.f32 s10, s1  }
0x188: {  	v41 =	vmul.f32 v60, v3;
	(xrf2) =	vadd.scan.msk.f32 $0xffff, v36;
	v26 =	vadd.f32 v52, v25;
	v25 =	vadd.f32 v53, v55;
	s14 =	smul.f32 $1.562500000e-02, s20;
	s22 =	spop (v2sf)  }
0x189: {  	v38 =	vmul.f32 v28, v28;
	v56 =	vmul.f32 v27, v27;
	v37 =	vadd.f32 v37, v40;
	s12 =	smul.f32 $1.562500000e-02, s22;
	s10 =	ssub.f32 $1.500000000e+00, s10  }
0x18a: {  	v41 =	vadd.f32 v41, v7;
	v58 =	vmul.f32 v26, v26;
	v45 =	vmul.f32 v25, v25;
	s25 =	smul.f32 s14, s14  }
0x18b: {  	v42 =	vmul.f32 v42, v0;
	s26 =	ssub.f32 $1.500000000e+00, s26;
	v57 =	vadd.f32 v27, v28;
	v59 =	vadd.f32 v25, v26;
	(xrf2) =	vadd.scan.msk.f32 $0xffff, v37;
	s10 =	smul.f32 s10, s1  }
0x18c: {  	v43 =	vmul.f32 v43, v1;
	v38 =	vadd.f32 v56, v38;
	s11 =	smul.f32 s19, s9;
	v60 =	vadd.f32 v45, v58;
	s12 =	ssub.f32 s12, s25  }
0x18d: {  	v42 =	vadd.f32 v42, v4;
	v40 =	vadd.f32 v59, v57;
	s22 =	spop (v2sf);
	s25 =	smul.f32 s10, s2  }
0x18e: {  	v43 =	vadd.f32 v43, v5;
	s1 =	simm.s32 $0xFA70;
	v39 =	vadd.f32 v60, v38;
	s16 =	smul.f32 $1.562500000e-02, s22;
	s12 =	sadd.f32 $9.999999740e-06, s12;
	v61 =	vmul.f32 s10, v35  }
0x18f: {  	s18 =	simm.s32 $0x6;
	s11 =	ssub.f32 $1.500000000e+00, s11;
	(xrf2) =	vadd.scan.msk.f32 $0xffff, v40;
	[tilespmem:s1+$0x0] =	vst v41;
	v34 =	vmul.f32 s10, v34;
	v35 =	vmov s25;
	s25 =	smul.f32 s26, s8  }
0x190: {  	[tilespmem:s1+$0xFFFFFFD0] =	vst v42;
	s2 =	sadd.s32 s6, s30;
	v62 =	vmul.f32 s10, v33;
	v36 =	vmul.f32 s10, v32;
	s30 =	smul.f32 $5.000000000e-01, s12;
	s26 =	sshrl.u32 s12, $0x1;
	v63 =	vsub.f32 v61, v35  }
0x191: {  	[tilespmem:s1+$0xFFFFFFE0] =	vst v43;
	s10 =	smul.f32 s16, s16;
	s8 =	simm.s32 $0x12E40;
	s26 =	ssub.s32 $0x5F3759DF, s26;
	v37 =	vsub.f32 v34, v35;
	v33 =	vmul.f32 s25, v30;
	v32 =	vmul.f32 s25, v31  }
0x192: {  	[tilespmem:s1+$0xFFFFFFF0] =	vst v54;
	v40, _, _ =	vpop (xrf2);
	s19 =	spop (v2sf);
	s12 =	simm.s32 $0xFA70;
	s28 =	smul.f32 s26, s30;
	v30 =	vsub.f32 v62, v35;
	v34 =	vmul.f32 s25, v29;
	v38 =	vmul.f32 v63, v3  }
.LBB2_5:
0x193: {  	v41 =	vld [tilespmem:s8+$0x0];
	(xrf2) =	vadd.scan.msk.f32 $0xffff, v39;
	s19 =	smul.f32 $1.562500000e-02, s19;
	v43 =	vmul.f32 v37, v0;
	v35 =	vsub.f32 v36, v35;
	v36 =	vmul.f32 s25, v12;
	v29 =	vmovc v14  }
0x194: {  	s3 =	sadd.s32 $0x80, s3;
	v14 =	vmovc v28;
	v37 =	vld [tilespmem:s8+$0x10];
	s20 =	smul.f32 s26, s28;
	v44 =	vmul.f32 v30, v1;
	v38 =	vadd.f32 v38, v7;
	v30 =	vmovc v10;
	v10 =	vmov v16  }
0x195: {  	s1 =	sadd.s32 $0x80, s1;
	v28 =	vld [tilespmem:s3+$0xFFFFFFD0];
	(v2sf) =	vpush v40, $0xF;
	v16, _, _ =	vpop (xrf2);
	s19 =	ssub.f32 s19, s10;
	s10 =	smul.f32 s11, s9;
	v39 =	vadd.f32 v43, v4;
	v35 =	vmul.f32 v35, v2  }
0x196: {  	v31 =	vmovc v9;
	v9 =	vmovc v15;
	s11 =	smul.f32 s25, s31;
	s31 =	smov.u32 s0;
	v40 =	vld [tilespmem:s3+$0xFFFFFFE0];
	(v2sf) =	vpush v16, $0xF;
	s9 =	ssub.f32 $1.500000000e+00, s20;
	v42 =	vadd.f32 v44, v5;
	[tilespmem:s1+$0x0] =	vst v38;
	v16 =	vmov v27  }
0x197: {  	v15 =	vmovc v26;
	v12 =	vmovc v8;
	v8 =	vmov v13;
	v13 =	vmov v25;
	s0 =	smov.u32 s16;
	v27 =	vld [tilespmem:s3+$0xFFFFFFF0];
	s19 =	sadd.f32 $9.999999740e-06, s19;
	s20 =	smul.f32 s10, s13;
	[tilespmem:s1+$0xFFFFFFD0] =	vst v39;
	v35 =	vadd.f32 v35, v6  }
0x198: {  	v26 =	vmov s11;
	v25 =	vld [tilespmem:s3+$0x0];
	s9 =	smul.f32 s26, s9;
	[tilespmem:s1+$0xFFFFFFE0] =	vst v42  }
0x199: {  	v33 =	vsub.f32 v33, v26;
	v32 =	vsub.f32 v32, v26;
	v38 =	vld [tilespmem:s8+$0x20];
	s11 =	sshrl.u32 s19, $0x1;
	s13 =	smul.f32 $5.000000000e-01, s19;
	[tilespmem:s1+$0xFFFFFFF0] =	vst v35  }
0x19a: {  	s18 =	sadd.s32 $0x2, s18;
	v34 =	vsub.f32 v34, v26;
	v26 =	vsub.f32 v36, v26;
	v35 =	vld [tilespmem:s8+$0x30];
	v39, _, _ =	vpop (xrf2);
	s11 =	ssub.s32 $0x5F3759DF, s11;
	s16 =	smul.f32 s9, s30  }
0x19b: {  	p0 =	slt.u32 s18, $0xC6;
	v33 =	vmul.f32 v33, v0;
	v32 =	vmul.f32 v32, v1;
	v36 =	vld [tilespmem:s3+$0xFFFFFFA0];
	(v2sf) =	vpush v39, $0xF;
	s19 =	smul.f32 s11, s13  }
0x19c: {  	v28 =	vmul.f32 $8.000000000e+00, v28;
	v40 =	vmul.f32 $8.000000000e+00, v40;
	v39 =	vld [tilespmem:s3+$0xFFFFFFB0];
	s16 =	smul.f32 s16, s9  }
0x19d: {  	v27 =	vmul.f32 $8.000000000e+00, v27;
	v33 =	vadd.f32 v33, v4;
	v42 =	vld [tilespmem:s3+$0xFFFFFFC0];
	v25 =	vmul.f32 $8.000000000e+00, v25;
	v43, _, _ =	vpop (xrf2);
	s19 =	smul.f32 s11, s19  }
0x19e: {  	s20 =	smul.f32 s20, s10;
	v34 =	vmul.f32 v34, v2;
	v41 =	vadd.f32 v41, v28;
	v37 =	vadd.f32 v37, v40;
	v44 =	vld [tilespmem:s3+$0xFFFFFF90];
	s16 =	ssub.f32 $1.500000000e+00, s16  }
0x19f: {  	v38 =	vadd.f32 v38, v27;
	v28 =	vld [tilespmem:s8+$0xFFFFFFC0];
	v40 =	vadd.f32 v35, v25;
	s19 =	ssub.f32 $1.500000000e+00, s19;
	[tilespmem:s12+$0xFFFFFF90] =	vst v33;
	v33 =	vmul.f32 v26, v3  }
0x1a0: {  	s25 =	ssub.f32 $1.500000000e+00, s20;
	v27 =	vadd.f32 v37, v41;
	v25 =	vmul.f32 $8.000000000e+00, v36;
	v26 =	vld [tilespmem:s8+$0xFFFFFFD0];
	(v2sf) =	vpush v43, $0xF;
	s16 =	smul.f32 s16, s9  }
0x1a1: {  	v45 =	vmul.f32 v37, v37;
	v43 =	vmul.f32 v41, v41;
	v35 =	vld [tilespmem:s8+$0xFFFFFFE0];
	v36 =	vadd.f32 v40, v38;
	s9 =	smul.f32 s11, s19  }
0x1a2: {  	v32 =	vadd.f32 v32, v5;
	v47 =	vmul.f32 v38, v38;
	v48 =	vmul.f32 v40, v40;
	v46 =	vld [tilespmem:s8+$0xFFFFFFF0];
	s11 =	smul.f32 s16, s30  }
0x1a3: {  	v39 =	vmul.f32 $8.000000000e+00, v39;
	v44 =	vmul.f32 $8.000000000e+00, v44;
	v36 =	vadd.f32 v36, v27;
	s19 =	smul.f32 s9, s13  }
0x1a4: {  	v42 =	vmul.f32 $8.000000000e+00, v42;
	v43 =	vadd.f32 v45, v43;
	v45 =	vadd.f32 v48, v47;
	s20 =	spop (v2sf);
	s11 =	smul.f32 s11, s16;
	[tilespmem:s12+$0xFFFFFFA0] =	vst v32  }
0x1a5: {  	v28 =	vadd.f32 v28, v44;
	v27 =	vadd.f32 v26, v25;
	(xrf2) =	vadd.scan.msk.f32 $0xffff, v36;
	s20 =	smul.f32 $1.562500000e-02, s20;
	s22 =	spop (v2sf)  }
0x1a6: {  	v32 =	vadd.f32 v45, v43;
	v26 =	vadd.f32 v35, v39;
	s22 =	smul.f32 $1.562500000e-02, s22;
	s11 =	ssub.f32 $1.500000000e+00, s11  }
0x1a7: {  	v25 =	vadd.f32 v46, v42;
	v35 =	vadd.f32 v27, v28;
	v36 =	vmul.f32 v28, v28;
	s26 =	smul.f32 s20, s20  }
0x1a8: {  	v39 =	vmul.f32 v27, v27;
	v42 =	vmul.f32 v26, v26;
	(xrf2) =	vadd.scan.msk.f32 $0xffff, v32;
	s28 =	smul.f32 s11, s16;
	v32 =	vadd.f32 v34, v6  }
0x1a9: {  	v33 =	vadd.f32 v33, v7;
	s19 =	smul.f32 s19, s9;
	v34 =	vadd.f32 v25, v26;
	v43 =	vmul.f32 v25, v25;
	s11 =	ssub.f32 s22, s26  }
0x1aa: {  	s16 =	spop (v2sf);
	s22 =	smul.f32 s28, s14  }
0x1ab: {  	v39 =	vadd.f32 v39, v36;
	v44 =	vmul.f32 s28, v17;
	v45 =	vmul.f32 s28, v19;
	[tilespmem:s12+$0xFFFFFFB0] =	vst v32;
	v17 =	vmovc v22;
	v22 =	vmovc v41;
	s14 =	smov.u32 s20;
	s16 =	smul.f32 $1.562500000e-02, s16  }
.Ltmp1:
0x1ac: {  	v41 =	vmul.f32 s28, v20;
	v32 =	vadd.f32 v34, v35;
	v34 =	vadd.f32 v43, v42;
	s20 =	sadd.f32 $9.999999740e-06, s11;
	[tilespmem:s12+$0xFFFFFFC0] =	vst v33;
	(pc) =	sbr.rel @p0 .LBB2_5-.Ltmp1, $4  }
0x1ad: {  	s25 =	smul.f32 s25, s10;
	v36 =	vmul.f32 s28, v18;
	v19 =	vmovc v21;
	v21 =	vmovc v37;
	v18 =	vmov v23;
	s11 =	ssub.f32 $1.500000000e+00, s19;
	s12 =	smov.u32 s1;
	v35 =	vmov s22  }
0x1ae: {  	v23 =	vmovc v38;
	v20 =	vmov v24;
	v39 =	vadd.f32 v34, v39;
	(xrf2) =	vadd.scan.msk.f32 $0xffff, v32;
	s19 =	sshrl.u32 s20, $0x1;
	s30 =	smul.f32 $5.000000000e-01, s20;
	v34 =	vsub.f32 v41, v35  }
0x1af: {  	v24 =	vmovc v40;
	v33 =	vmul.f32 s25, v11;
	v11 =	vmovc v29;
	s10 =	smul.f32 s16, s16;
	v37 =	vsub.f32 v44, v35;
	v32 =	vmul.f32 s25, v30;
	s26 =	ssub.s32 $0x5F3759DF, s19  }
0x1b0: {  	s8 =	sadd.s32 $0x80, s8;
	v30 =	vsub.f32 v45, v35;
	v40, _, _ =	vpop (xrf2);
	s28 =	smul.f32 s26, s30;
	s19 =	spop (v2sf);
	v38 =	vmul.f32 v34, v3;
	v34 =	vmul.f32 s25, v31  }
0x1b1: {  	_ = 	snop  }
0x1b2: {  	(v2sf) =	vpush v40, $0xF;
	v29, _, _ =	vpop (xrf2)  }
0x1b3: {  	(v2sf) =	vpush v29, $0xF;
	_ =	sdelay $0x3  }
0x1b4: {  	s3 =	smul.f32 $1.562500000e-02, s19  }
0x1b5: {  	s8 =	smul.f32 s26, s28  }
0x1b6: {  	s9 =	smul.f32 s11, s9;
	(xrf2) =	vadd.scan.msk.f32 $0xffff, v39;
	s3 =	ssub.f32 s3, s10  }
0x1b7: {  	s8 =	ssub.f32 $1.500000000e+00, s8  }
0x1b8: {  	s11 =	smul.f32 s9, s13;
	s3 =	sadd.f32 $9.999999740e-06, s3  }
0x1b9: {  	s13 =	smul.f32 s26, s8  }
0x1ba: {  	s20 =	sshrl.u32 s3, $0x1;
	s10 =	smul.f32 $5.000000000e-01, s3  }
0x1bb: {  	s3 =	ssub.s32 $0x5F3759DF, s20;
	s22 =	smul.f32 s13, s30  }
0x1bc: {  	v58, _, _ =	vpop (xrf2);
	s18 =	smul.f32 s3, s10  }
0x1bd: {  	(v2sf) =	vpush v58, $0xF;
	s26 =	smul.f32 s22, s13  }
0x1be: {  	s18 =	smul.f32 s3, s18;
	s28 =	spop (v2sf)  }
0x1bf: {  	s8 =	smul.f32 $1.562500000e-02, s28;
	s20 =	spop (v2sf)  }
0x1c0: {  	v59, _, _ =	vpop (xrf2);
	s19 =	ssub.f32 $1.500000000e+00, s26;
	s20 =	smul.f32 $1.562500000e-02, s20  }
0x1c1: {  	(v2sf) =	vpush v59, $0xF;
	s22 =	smul.f32 s8, s8  }
0x1c2: {  	s18 =	ssub.f32 $1.500000000e+00, s18;
	s13 =	smul.f32 s19, s13  }
0x1c3: {  	s11 =	smul.f32 s11, s9;
	s20 =	ssub.f32 s20, s22  }
0x1c4: {  	s22 =	smul.f32 s13, s30  }
0x1c5: {  	s18 =	smul.f32 s3, s18;
	s26 =	sadd.f32 $9.999999740e-06, s20  }
0x1c6: {  	s28 =	smul.f32 s22, s13  }
0x1c7: {  	s30 =	sshrl.u32 s26, $0x1;
	s22 =	smul.f32 $5.000000000e-01, s26  }
0x1c8: {  	s26 =	smul.f32 s18, s10;
	s28 =	ssub.f32 $1.500000000e+00, s28;
	s30 =	ssub.s32 $0x5F3759DF, s30  }
0x1c9: {  	s20 =	smul.f32 s30, s22  }
0x1ca: {  	s28 =	smul.f32 s28, s13  }
0x1cb: {  	s11 =	ssub.f32 $1.500000000e+00, s11;
	s26 =	smul.f32 s26, s18  }
0x1cc: {  	s13 =	spop (v2sf);
	s20 =	smul.f32 s30, s20  }
0x1cd: {  	s3 =	smul.f32 $1.562500000e-02, s13  }
0x1ce: {  	s13 =	smul.f32 s11, s9;
	s20 =	ssub.f32 $1.500000000e+00, s20  }
0x1cf: {  	s11 =	smul.f32 s3, s3  }
0x1d0: {  	s19 =	smul.f32 s30, s20;
	s30 =	spop (v2sf)  }
0x1d1: {  	s9 =	smul.f32 $1.562500000e-02, s30  }
0x1d2: {  	s14 =	smul.f32 s28, s14;
	s26 =	ssub.f32 $1.500000000e+00, s26  }
0x1d3: {  	s20 =	smul.f32 s25, s31;
	s9 =	ssub.f32 s9, s11  }
0x1d4: {  	s31 =	smul.f32 s19, s22  }
0x1d5: {  	v31 =	vsub.f32 v36, v35;
	s11 =	smul.f32 s26, s18;
	s9 =	sadd.f32 $9.999999740e-06, s9  }
0x1d6: {  	v60 =	vmul.f32 v37, v0;
	v30 =	vmul.f32 v30, v1;
	s30 =	smul.f32 s31, s19  }
0x1d7: {  	v12 =	vmul.f32 s25, v12;
	v61 =	vadd.f32 v38, v7;
	v31 =	vmul.f32 v31, v2;
	s31 =	sshrl.u32 s9, $0x1;
	s9 =	smul.f32 $5.000000000e-01, s9  }
0x1d8: {  	v29 =	vadd.f32 v60, v4;
	v30 =	vadd.f32 v30, v5;
	v20 =	vmul.f32 s28, v20;
	s10 =	smul.f32 s11, s10;
	s18 =	ssub.s32 $0x5F3759DF, s31  }
0x1d9: {  	v31 =	vadd.f32 v31, v6;
	v17 =	vmul.f32 s28, v17;
	v19 =	vmul.f32 s28, v19;
	s31 =	smul.f32 s18, s9  }
0x1da: {  	v18 =	vmul.f32 s28, v18;
	v11 =	vmul.f32 s13, v11;
	v63 =	vmov s14;
	s30 =	ssub.f32 $1.500000000e+00, s30;
	s10 =	smul.f32 s10, s11  }
0x1db: {  	v10 =	vmul.f32 s13, v10;
	v20 =	vsub.f32 v20, v63;
	v17 =	vsub.f32 v17, v63;
	s14 =	smul.f32 s18, s31  }
0x1dc: {  	v9 =	vmul.f32 s13, v9;
	v19 =	vsub.f32 v19, v63;
	v18 =	vsub.f32 v18, v63;
	s19 =	smul.f32 s30, s19  }
0x1dd: {  	v20 =	vmul.f32 v20, v3;
	v17 =	vmul.f32 v17, v0;
	v62 =	vmov s20;
	s20 =	smul.f32 s13, s0;
	s25 =	ssub.f32 $1.500000000e+00, s14  }
0x1de: {  	v19 =	vmul.f32 v19, v1;
	v33 =	vsub.f32 v33, v62;
	v32 =	vsub.f32 v32, v62;
	s10 =	ssub.f32 $1.500000000e+00, s10;
	s26 =	smul.f32 s19, s22  }
0x1df: {  	v18 =	vmul.f32 v18, v2;
	v34 =	vsub.f32 v34, v62;
	v12 =	vsub.f32 v12, v62;
	s18 =	smul.f32 s18, s25  }
0x1e0: {  	v8 =	vmul.f32 s13, v8;
	v20 =	vadd.f32 v20, v7;
	v17 =	vadd.f32 v17, v4;
	s10 =	smul.f32 s10, s11  }
0x1e1: {  	v19 =	vadd.f32 v19, v5;
	v18 =	vadd.f32 v18, v6;
	v37 =	vmov s20;
	s30 =	sadd.s32 $0x80, s1;
	s31 =	smul.f32 s18, s9  }
0x1e2: {  	v33 =	vmul.f32 v33, v0;
	v32 =	vmul.f32 v32, v1;
	v11 =	vsub.f32 v11, v37;
	[tilespmem:s30+$0x0] =	vst v61;
	s14 =	smul.f32 s26, s19  }
0x1e3: {  	v34 =	vmul.f32 v34, v2;
	v10 =	vsub.f32 v10, v37;
	v8 =	vsub.f32 v8, v37;
	[tilespmem:s30+$0xFFFFFFD0] =	vst v29;
	s1 =	smul.f32 s31, s18  }
0x1e4: {  	v12 =	vmul.f32 v12, v3;
	v9 =	vsub.f32 v9, v37;
	v33 =	vadd.f32 v33, v4;
	[tilespmem:s30+$0xFFFFFFE0] =	vst v30;
	s14 =	ssub.f32 $1.500000000e+00, s14  }
0x1e5: {  	v32 =	vadd.f32 v32, v5;
	v11 =	vmul.f32 v11, v0;
	v8 =	vmul.f32 v8, v3;
	[tilespmem:s30+$0xFFFFFFF0] =	vst v31;
	s26 =	smul.f32 s10, s16;
	s1 =	ssub.f32 $1.500000000e+00, s1  }
0x1e6: {  	v34 =	vadd.f32 v34, v6;
	v12 =	vadd.f32 v12, v7;
	v10 =	vmul.f32 v10, v1;
	[tilespmem:s12+$0xFFFFFF90] =	vst v33;
	s13 =	smul.f32 s14, s19  }
0x1e7: {  	[tilespmem:s12+$0xFFFFFFA0] =	vst v32;
	v11 =	vadd.f32 v11, v4;
	v8 =	vadd.f32 v8, v7;
	v14 =	vmul.f32 s10, v14;
	s20 =	smul.f32 s1, s18  }
0x1e8: {  	[tilespmem:s12+$0xFFFFFFB0] =	vst v34;
	v16 =	vmul.f32 s10, v16;
	v15 =	vmul.f32 s10, v15;
	v45 =	vmov s26;
	s8 =	smul.f32 s13, s8  }
0x1e9: {  	v10 =	vadd.f32 v10, v5;
	[tilespmem:s12+$0xFFFFFFC0] =	vst v12;
	v14 =	vsub.f32 v14, v45;
	s25 =	smul.f32 s20, s9  }
0x1ea: {  	v9 =	vmul.f32 v9, v2;
	s22 =	sadd.s32 $0x80, s30;
	[tilespmem:s30+$0xFFFFFFC0] =	vst v8;
	v16 =	vsub.f32 v16, v45;
	v8 =	vsub.f32 v15, v45  }
0x1eb: {  	[tilespmem:s22+$0x0] =	vst v20;
	v48 =	vmul.f32 s10, v13;
	v14 =	vmul.f32 v14, v0;
	v39 =	vmov s8;
	s8 =	smul.f32 s25, s20  }
0x1ec: {  	v9 =	vadd.f32 v9, v6;
	[tilespmem:s22+$0xFFFFFFD0] =	vst v17;
	v51 =	vmul.f32 v16, v1;
	v8 =	vmul.f32 v8, v2  }
0x1ed: {  	[tilespmem:s30+$0xFFFFFFA0] =	vst v10;
	v10 =	vsub.f32 v48, v45;
	v22 =	vmul.f32 s13, v22;
	v24 =	vmul.f32 s13, v24;
	s8 =	ssub.f32 $1.500000000e+00, s8  }
0x1ee: {  	[tilespmem:s22+$0xFFFFFFE0] =	vst v19;
	v38 =	vmul.f32 s13, v21;
	v14 =	vadd.f32 v14, v4;
	v56 =	vadd.f32 v51, v5  }
0x1ef: {  	[tilespmem:s22+$0xFFFFFFF0] =	vst v18;
	v40 =	vmul.f32 s13, v23;
	v41 =	vsub.f32 v24, v39;
	v22 =	vsub.f32 v22, v39;
	s8 =	smul.f32 s8, s20  }
0x1f0: {  	[tilespmem:s30+$0xFFFFFF90] =	vst v11;
	v10 =	vmul.f32 v10, v3;
	v8 =	vadd.f32 v8, v6;
	v12 =	vsub.f32 v38, v39  }
0x1f1: {  	[tilespmem:s30+$0xFFFFFFB0] =	vst v9;
	v43 =	vsub.f32 v40, v39;
	v42 =	vmul.f32 v41, v3;
	v44 =	vmul.f32 v22, v0;
	s3 =	smul.f32 s8, s3  }
0x1f2: {  	v59 =	vadd.f32 v10, v7;
	[tilespmem:s22+$0xFFFFFF90] =	vst v14;
	v12 =	vmul.f32 v12, v1;
	v52 =	vmul.f32 s8, v28  }
0x1f3: {  	[tilespmem:s22+$0xFFFFFFA0] =	vst v56;
	v47 =	vmul.f32 v43, v2;
	v53 =	vmul.f32 s8, v27;
	v54 =	vmov s3  }
0x1f4: {  	[tilespmem:s22+$0xFFFFFFB0] =	vst v8;
	v46 =	vadd.f32 v42, v7;
	v57 =	vmul.f32 s8, v25;
	v15 =	vsub.f32 v52, v54  }
0x1f5: {  	s28 =	sadd.s32 $0x80, s22;
	[tilespmem:s22+$0xFFFFFFC0] =	vst v59;
	v12 =	vadd.f32 v12, v5;
	v55 =	vmul.f32 s8, v26;
	v13 =	vsub.f32 v53, v54  }
0x1f6: {  	v49 =	vadd.f32 v44, v4;
	[tilespmem:s28+$0x0] =	vst v46;
	v60 =	vsub.f32 v57, v54;
	v58 =	vmul.f32 v15, v0  }
0x1f7: {  	v50 =	vadd.f32 v47, v6;
	[tilespmem:s28+$0xFFFFFFE0] =	vst v12;
	v12 =	vsub.f32 v55, v54;
	v61 =	vmul.f32 v13, v1  }
0x1f8: {  	s29 =	sadd.s32 $0x1, s29;
	[tilespmem:s28+$0xFFFFFFD0] =	vst v49;
	v62 =	vmul.f32 v60, v3;
	v8 =	vadd.f32 v58, v4  }
0x1f9: {  	p0 =	sne.s32 s29, $0x40;
	[tilespmem:s28+$0xFFFFFFF0] =	vst v50;
	v12 =	vmul.f32 v12, v2;
	v63 =	vadd.f32 v61, v5  }
.Ltmp2:
0x1fa: {  	v9 =	vadd.f32 v62, v7;
	[tilespmem:s28+$0xFFFFFF90] =	vst v8;
	(pc) =	sbr.rel @p0 .LBB2_2-.Ltmp2, $4  }
0x1fb: {  	s30 =	smul.u32 $0x640, s2;
	v8 =	vadd.f32 v12, v6;
	[tilespmem:s28+$0xFFFFFFA0] =	vst v63  }
0x1fc: {  	[tilespmem:s28+$0xFFFFFFC0] =	vst v9  }
0x1fd: {  	s31 =	sadd.s32 s4, s30;
	[tilespmem:s28+$0xFFFFFFB0] =	vst v8  }
0x1fe: {  	[hbm4b:s31+s5] =	stream.linear.scatter [tilespmem:s24], [sflag:$0x4], $0x3200, $0x38;
	[tilespmem:$0x15E80] =	vst v63  }
0x1ff: {  	s0 =	simm.s32 $0x3  }
0x200: {  	_ =	swait.ge [sflag:s0], $0x3200  }
0x201: {  	[sflag:s0] =	ssyncset.done $0x0  }
0x202: {  	s1 =	simm.s32 $0x4;
	[sflag:s0] =	ssyncadd.s32 $0xFFFFCE00  }
0x203: {  	_ =	swait.ge [sflag:s1], $0x3200  }
0x204: {  	s2 =	rddreg [dreg:$0x8]  }
0x205: {  	s31 =	rddreg [dreg:$0x7];
	s2 =	sadd.s32 $0x1, s2  }
0x206: {  	p0 =	sne.s32 s2, s31  }
.Ltmp3:
0x207: {  	_ = 	snop;
	(pc) =	sbr.rel @p0 .LBB2_1-.Ltmp3, $3  }
0x208: {  	_ =	sdelay $0x1  }
0x209: {  	[sflag:s1] =	ssyncset.done $0x0  }
0x20a: {  	[sflag:s1] =	ssyncadd.s32 $0xFFFFCE00  }
0x20b: {  	_ =	sfence.sel $0x180000  }
0x20c: {  	[bflag:$0x0] =	sbarrier.arrive $0xFFFF  }
0x20d: {  	_ =	strace $0x90000047  }
0x20e: {  	s0 =	stileid.u32;
	[bflag:$0x2] =	sbarrier.arrive $0xFFFF  }
0x20f: {  	p0 =	sne.s32 s0, $0x0;
	s0 =	rddreg [dreg:$0x4]  }
0x210: {  	s0 =	sadd.s32 @!p0 $0x100000, s0  }
0x211: {  	[sflag:s0] =	ssyncadd.tile.s32 @!p0 $0x1;
	_ =	shalt  }
.Lfunc_end2:
_tile_overlayer_lowered:
.L_overlay_start_2:
0x212: {  	(tag) =	ssettag $0x2  }
0x213: {  	s0 =	rddreg [dreg:$0x0];
	s2 =	stileid.u32  }
0x214: {  	s1 =	rddreg [dreg:$0x1];
	p0 =	sne.s32 s2, $0x0  }
0x215: {  	s3 =	rddreg [dreg:$0x2];
	[bflag:$0x3] =	sbarrier.arrive $0xFFFF;
	s2 =	simm.s32 @!p0 $0x1C05  }
0x216: {  	[timem:s3], [sflag:s2] =	dma.local @!p0 [hbm:s0], s1  }
0x217: {  	s0 =	simm.s32 @!p0 $0x5  }
0x218: {  	_ =	swait.ge @!p0 [sflag:s0], s1  }
0x219: {  	s1 =	ssub.s32 @!p0 $0x0, s1;
	[sflag:s0] =	ssyncset.done @!p0 $0x0  }
0x21a: {  	[sflag:s0] =	ssyncadd.s32 @!p0 s1  }
0x21b: {  	[bflag:$0x3] =	sbarrier.arrive $0xFFFF  }
0x21c: {  	_ =	shalt  }

// kernel: sparse-core-data-format-call.cloned.1.call-start
scs
called_computation_lowered:
.L_overlay_start_0:
0x0: {  	s2 =	sld [smem:$0x3FD9]  }
0x1: {  	s3 =	sld [smem:$0x3FFE];
	_ =	sdelay $0x1  }
0x2: {  	s1 =	srdreg.scid  }
0x3: {  	s0 =	sand.u32 $0x1, s1  }
0x4: {  	s18 =	sshll.u32 s0, $0xA;
	s2 =	sadd.s32 s3, s2  }
0x5: {  	s2 =	sadd.s32 s2, s18  }
0x6: {  	[smem:$0x3FC3] =	sst s2  }
0x7: {  	_ = 	snop  }
0x8: {  	s2 =	sld [smem:$0x3FD0];
	(tm) =	ssettm $0x1  }
0x9: {  	s19 =	sld [smem:$0x3FFB];
	_ =	sdelay $0x3  }
0xa: {  	_ =	strace s19  }
0xb: {  	s3 =	sld [smem:$0x3FFC];
	_ =	sdelay $0x3  }
0xc: {  	_ =	strace s3  }
0xd: {  	s3 =	sld [smem:$0x3FFD];
	_ =	sdelay $0x3  }
0xe: {  	_ =	strace s3  }
0xf: {  	_ =	strace $0x8FFFFFFF  }
0x10: {  	s20 =	sld [smem:$0x3FDB];
	_ =	sdelay $0x1  }
0x11: {  	s4 =	simm.s32 $_scs_section_size  }
0x12: {  	s5 =	simm.s32 $_size__tile_overlayer_lowered;
	s6 =	simm.s32 $_tile_overlayer_lowered  }
0x13: {  	s23 =	simm.s32 $0x1BFF;
	s22 =	sshll.u32 s6, $0x1;
	s3 =	sadd.s32 s4, s20  }
0x14: {  	s7 =	simm.s32 $0x0;
	s21 =	sshll.u32 s5, $0x1;
	s5 =	sadd.s32 s22, s3  }
0x15: {  	[timem:s7], [sflag:s23] =	dma.local [hbm:s5], s21  }
0x16: {  	_ =	swait.ge [sflag:s23], s21  }
0x17: {  	s4 =	ssub.s32 $0x0, s21;
	[sflag:s23] =	ssyncset.done $0x0  }
0x18: {  	[sflag:s23] =	ssyncadd.s32 s4;
	_ =	sdelay $0x1  }
0x19: {  	s24 =	simm.s32 $0x1B8B  }
0x1a: {  	_ =	swait.ge [sflag:s24], $0x1  }
0x1b: {  	[sflag:s24] =	ssyncset.done $0x0  }
0x1c: {  	s26 =	simm.s32 $0x1B8E;
	s25 =	sld [smem:$0x3FFE];
	[sflag:s24] =	ssyncadd.s32 $0xFFFFFFFF  }
0x1d: {  	s27 =	simm.s32 $execute0_lowered;
	[smem:$0x3FD2] =	sst s26  }
0x1e: {  	s5 =	sshll.u32 s27, $0x1;
	_ =	strace $0x80000049;
	[dreg:$0x1] =	wrdreg $0xFFFFFFFF  }
0x1f: {  	s28 =	simm.s32 $_size_execute0_lowered;
	s3 =	sadd.s32 s3, s5;
	[dreg:$0x0] =	wrdreg $0x0  }
0x20: {  	s5 =	sshll.u32 s28, $0x1;
	[dreg:$0x2] =	wrdreg s3  }
0x21: {  	[dreg:$0x3] =	wrdreg s5  }
0x22: {  	[dreg:$0x4] =	wrdreg $0xC0  }
0x23: {  	_ =	task [dreg:s7], $0x5FFFF  }
0x24: {  	[dreg:$0x1] =	wrdreg $0xFFFFFFFF  }
0x25: {  	[dreg:$0x0] =	wrdreg $0x60  }
0x26: {  	[dreg:$0x2] =	wrdreg s25  }
0x27: {  	[dreg:$0x3] =	wrdreg s2  }
0x28: {  	[dreg:$0x4] =	wrdreg $0x9  }
0x29: {  	_ =	task.clear_ibuf [dreg:s7], $0x5FFFF;
	_ =	strace $0x90000049  }
0x2a: {  	s29 =	simm.s32 $0x9;
	_ =	strace $0x8000004B  }
0x2b: {  	_ =	swait.ge [sflag:s29], $0x1  }
0x2c: {  	[sflag:s29] =	ssyncadd.s32 $0xFFFFFFFF  }
0x2d: {  	_ =	strace $0x9000004B  }
0x2e: {  	_ =	sfence  }
0x2f: {  	s30 =	sld [smem:$0x0];
	_ =	sdelay $0x2  }
0x30: {  	s31 =	sshll.u32 s1, $0xD;
	s1 =	sshrl.u32 s1, $0x2  }
0x31: {  	s3 =	sand.u32 $0x4000, s31;
	s1 =	sadd.s32 s1, s30  }
0x32: {  	s0 =	sor.u32 s3, s0;
	s1 =	sshll.u32 s1, $0x11  }
0x33: {  	s0 =	sor.u32 s1, s0  }
0x34: {  	s0 =	sadd.s32 $0x8F2B, s0  }
0x35: {  	[sflag:s0] =	ssyncadd.remote.s32 $0x1  }
0x36: {  	_ =	sfence.sel $0xFFFF  }
0x37: {  	[dreg:$0x0] =	wrdreg $0xFFFFFFFF;
	(pc) =	sbr.abs _section_cstart, $3  }
0x38: {  	[dreg:$0x1] =	wrdreg $0xFFFFFFFF  }
0x39: {  	_ =	task.clear_ibuf [dreg:s7], $0x2FFFF;
	_ =	strace $0x9FFFFFFF  }
0x3a: {  	(tm) =	ssettm $0x7FFFFFFF  }
0x3b: {  	_ =	shalt  }
tec
execute0_lowered:
.L_overlay_start_1:
0x0: {  	(tag) =	ssettag $0x1  }
0x1: {  	s0 =	srdreg.scid  }
0x2: {  	s1 =	sshll.u32 s0, $0x4  }
0x3: {  	s0 =	stileid.u32;
	s1 =	sand.u32 $0x10, s1  }
0x4: {  	s1 =	sor.u32 s0, s1  }
0x5: {  	s6 =	rddreg [dreg:$0x0];
	s4 =	simm.s32 $0x1;
	s2 =	sshll.u32 s1, $0x7  }
0x6: {  	s7 =	simm.s32 $0x2;
	s12 =	simm.s32 $0x0;
	s1 =	ssub.s32 $0x1000, s2  }
0x7: {  	s8 =	simm.s32 $0x8000;
	s13 =	simm.s32 $0x0;
	s3 =	sand.u32 $0xF80, s1  }
0x8: {  	s9 =	simm.s32 $0x0;
	s5 =	sshrl.u32 s1, $0xC;
	p0 =	sne.s32 s3, $0x0  }
.Ltmp0:
0x9: {  	s1 =	rddreg [dreg:$0x2];
	s4 =	simm.s32 @!p0 $0x0;
	(pc) =	sbr.rel .LBB1_1-.Ltmp0, $4  }
0xa: {  	s11 =	simm.s32 $0x0;
	s3 =	rddreg [dreg:$0x1];
	s5 =	sadd.s32 s4, s5  }
0xb: {  	_ =	strace $0x8000004A;
	s4 =	simm.s32 $0x1;
	s5 =	smul.u32 $0xC8, s5  }
0xc: {  	s6 =	sadd.s32 $0x800, s6;
	s10 =	smov.u32 s2;
	[sflag:s4] =	ssyncpa.u1 $0x0  }
0xd: {  	p0 =	por $0x0, $0x0;
	[sflag:s7] =	ssyncpa.u1 $0x0;
	s7 =	sor.u32 $0x1, s5  }
.LBB1_4:
0xe: {  	s16 =	sshll.u32 s13, $0x3;
	s17 =	sand.u32 $0x78, s13  }
0xf: {  	s30 =	sand.u32 $0x7E00, s13;
	s12 =	sshll.u32 s12, $0xF;
	s16 =	sand.u32 $0xC00, s16  }
0x10: {  	[tilespmem:s15+$0x810 ss:$0x81] =	vst.msk $0xffff, v2;
	s31 =	sand.u32 $0x7, s13;
	s16 =	sor.u32 s17, s16;
	s17 =	sadd.s32 s3, s30  }
0x11: {  	[tilespmem:s15+$0x1020 ss:$0x81] =	vst.msk $0xffff, v0;
	s13 =	sshll.u32 s31, $0x12;
	s12 =	sadd.s32 s12, s17;
	s16 =	sshrl.u32 s16, $0x3  }
0x12: {  	[tilespmem:s15+$0x0 ss:$0x81] =	vst.msk $0xffff, v1;
	s13 =	sor.u32 $0x400, s13;
	s12 =	sadd.s32 s16, s12  }
0x13: {  	[hbm4b:s12+s13] =	stream.strided.scatter [tilespmem:s14], [sflag:$0x2], $0x2000, s8, s13, $0x20;
	[tilespmem:$0x8080] =	vst v63  }
.LBB1_5:
0x14: {  	s14 =	sadd.s32 $0x1, s9  }
0x15: {  	s12 =	sadd.s32 $0x1000, s10;
	s16 =	smov.u32 s10;
	p2 =	sgt.s32 s14, $0xC7  }
0x16: {  	s16 =	smov.u32 @p2 s12  }
0x17: {  	s14 =	simm.s32 @p2 $0x0;
	p2 =	sgt.s32 s16, $0xFFF  }
0x18: {  	s16 =	smov.u32 @p2 s2;
	p2 =	sne.s32 s11, s7  }
.Ltmp1:
0x19: {  	p1 =	slt.u32 s11, $0x2;
	(pc) =	sbr.rel @!p2 .LBB1_6-.Ltmp1, $4  }
0x1a: {  	s15 =	simm.s32 @!p1 $0x2  }
0x1b: {  	s13 =	smov.u32 s10;
	p0 =	por !p0, !p0;
	_ =	swait.ge @!p1 [sflag:s15], $0x2000  }
0x1c: {  	s12 =	smov.u32 s9;
	[sflag:s15] =	ssyncset.done @!p1 $0x0;
	s9 =	smov.u32 s14  }
0x1d: {  	s11 =	sadd.s32 $0x1, s11;
	[sflag:s15] =	ssyncadd.s32 @!p1 $0xFFFFE000;
	s10 =	smov.u32 s16  }
.LBB1_1:
0x1e: {  	p1 =	sge.u32 s11, s5  }
0x1f: {  	s14 =	sand.u32 @!p1 $0x1FFFFFF, s9  }
0x20: {  	s15 =	smulhi.u32 @!p1 $0x147AE15, s14;
	_ =	sdelay $0x1  }
0x21: {  	s15 =	smul.u32 @!p1 $0xC8, s15  }
0x22: {  	s16 =	sxor.u32 @!p1 $0xFFFFFFFF, s11;
	s17 =	smul.u32 @!p1 $0xC80, s10  }
0x23: {  	s31 =	sadd.s32 $0xFFFFFFFF, s11;
	s16 =	sshll.u32 @!p1 s16, $0xD;
	s14 =	ssub.s32 @!p1 s14, s15  }
0x24: {  	s15 =	sand.u32 @!p1 $0x2000, s16;
	s16 =	sadd.s32 @!p1 s6, s17;
	s14 =	sshll.u32 @!p1 s14, $0x4  }
0x25: {  	s17 =	simm.s32 @!p1 $0x6400;
	s14 =	sadd.s32 @!p1 s14, s16;
	s16 =	simm.s32 @!p1 $0x40  }
0x26: {  	[tilespmem:s15], [sflag:$0x1] =	stream.strided.gather @!p1 [hbm4b:s14+s16], $0x2000, s17, s16, $0x38;
	[tilespmem:$0x8080] =	vst v63  }
0x27: {  	p1 =	sge.u32 s31, s5  }
.Ltmp2:
0x28: {  	_ = 	snop;
	(pc) =	sbr.rel @p1 .LBB1_5-.Ltmp2, $1  }
0x29: {  	_ =	sdelay $0x3  }
0x2a: {  	s14 =	simm.s32 $0x1  }
0x2b: {  	_ =	swait.ge [sflag:s4], $0x2000;
	s14 =	simm.s32 @!p0 $0x0  }
0x2c: {  	[sflag:s4] =	ssyncset.done $0x0;
	s15 =	sshll.u32 s14, $0xD  }
0x2d: {  	[sflag:s4] =	ssyncadd.s32 $0xFFFFE000;
	s18 =	sor.u32 $0x20, s15  }
0x2e: {  	s14 =	smul.u32 $0x8100, s14;
	v3 =	vld [tilespmem:s18+$0x10]  }
0x2f: {  	s30 =	sand.u32 $0x1, s11;
	v2 =	vld [tilespmem:s18+$0xFFFFFFF0]  }
0x30: {  	s15 =	smul.u32 $0x8100, s30;
	s14 =	sshrl.u32 s14, $0x2;
	v0 =	vld [tilespmem:s18+$0x0]  }
0x31: {  	v1 =	vld [tilespmem:s18+$0xFFFFFFE0];
	s16 =	sor.u32 $0x4000, s14  }
0x32: {  	s31 =	sshrl.u32 s15, $0x2;
	s15 =	sadd.s32 $0x0, s16  }
0x33: {  	s17 =	simm.s32 $0x4;
	s18 =	sadd.s32 $0x40, s18;
	s14 =	sor.u32 $0x4000, s31;
	[tilespmem:s15+$0x1830 ss:$0x81] =	vst.msk $0xffff, v3  }
.LBB1_3:
0x34: {  	v3 =	vld [tilespmem:s18+$0x10];
	p1 =	sne.s32 s17, $0x1FC;
	[tilespmem:s15+$0x810 ss:$0x81] =	vst.msk $0xffff, v2;
	s19 =	smov.u32 s17;
	s17 =	sadd.s32 $0x4, s17  }
.Ltmp3:
0x35: {  	v2 =	vld [tilespmem:s18+$0xFFFFFFF0];
	[tilespmem:s15+$0x1020 ss:$0x81] =	vst.msk $0xffff, v0;
	(pc) =	sbr.rel @p1 .LBB1_3-.Ltmp3, $4  }
0x36: {  	v0 =	vld [tilespmem:s18+$0x0];
	[tilespmem:s15+$0x0 ss:$0x81] =	vst.msk $0xffff, v1  }
0x37: {  	s15 =	sshra.s32 s19, $0x2;
	v1 =	vld [tilespmem:s18+$0xFFFFFFE0]  }
0x38: {  	s15 =	sadd.s32 s15, s16  }
0x39: {  	s18 =	sadd.s32 $0x40, s18;
	[tilespmem:s15+$0x1830 ss:$0x81] =	vst.msk $0xffff, v3  }
.Ltmp4:
0x3a: {  	_ = 	snop;
	(pc) =	sbr.rel .LBB1_4-.Ltmp4, $1  }
0x3b: {  	_ =	sdelay $0x3  }
.LBB1_6:
0x3c: {  	_ =	sfence.sel $0x180000  }
0x3d: {  	s2 =	simm.s32 $0x1;
	[bflag:$0x0] =	sbarrier.arrive $0xFFFF  }
0x3e: {  	s31 =	simm.s32 $0x2;
	[sflag:s2] =	ssyncpa.u1 $0x1  }
0x3f: {  	[sflag:s31] =	ssyncpa.u1 $0x1  }
0x40: {  	p0 =	sne.s32 s0, $0x0;
	_ =	strace $0x9000004A  }
0x41: {  	s0 =	sadd.s32 @!p0 $0x100000, s1;
	[bflag:$0x2] =	sbarrier.arrive $0xFFFF  }
0x42: {  	[sflag:s0] =	ssyncadd.tile.s32 @!p0 $0x1;
	_ =	shalt  }
.Lfunc_end1:
_tile_overlayer_lowered:
.L_overlay_start_2:
0x43: {  	(tag) =	ssettag $0x2  }
0x44: {  	s0 =	rddreg [dreg:$0x0];
	s2 =	stileid.u32  }
0x45: {  	s1 =	rddreg [dreg:$0x1];
	p0 =	sne.s32 s2, $0x0  }
0x46: {  	s3 =	rddreg [dreg:$0x2];
	[bflag:$0x3] =	sbarrier.arrive $0xFFFF;
	s2 =	simm.s32 @!p0 $0x1C01  }
0x47: {  	[timem:s3], [sflag:s2] =	dma.local @!p0 [hbm:s0], s1  }
0x48: {  	s0 =	simm.s32 @!p0 $0x1  }
0x49: {  	_ =	swait.ge @!p0 [sflag:s0], s1  }
0x4a: {  	s1 =	ssub.s32 @!p0 $0x0, s1;
	[sflag:s0] =	ssyncset.done @!p0 $0x0  }
0x4b: {  	[sflag:s0] =	ssyncadd.s32 @!p0 s1  }
0x4c: {  	[bflag:$0x3] =	sbarrier.arrive $0xFFFF  }
0x4d: {  	_ =	shalt  }

</sc_bundles>
